<compile_context>
chip_gen: v7x
topology: tpu7x:2x2x1
jax: 0.10.2.dev20260603
libtpu: 0.0.44.dev20260713+nightly
codegen_flags: <defaults>
</compile_context>

<pallas_src>
import functools

import jax
import jax.numpy as jnp
from jax import lax
from jax.experimental import pallas as pl
from jax.experimental.pallas import tpu as pltpu
from jax.experimental.pallas import tpu_sc as plsc

_N_ITERS = 5
_ROW_BLOCK = 1024
_NUM_CORES = 2
_NUM_SUBCORES = 16
_LANES = 16


def _dense_kernel(x_ref, out_ref, *, C: int):
    R = x_ref.shape[0]
    x = x_ref[...]
    col = jax.lax.broadcasted_iota(jnp.int32, (R, x.shape[1]), 1)
    valid = col < C
    x = jnp.where(valid, x, 0.0)
    neg_big = jnp.float32(-1e30)
    mx = jnp.max(jnp.where(valid, x, neg_big), axis=1, keepdims=True)
    Xs = jnp.where(valid, (x - mx) * 0.5, neg_big)

    tau = jnp.full((R, 1), -1.0, dtype=jnp.float32)
    for _ in range(_N_ITERS):
        r = jnp.maximum(Xs - tau, 0.0)
        s1 = jnp.sum(r, axis=1, keepdims=True)
        s2 = jnp.sum(r * r, axis=1, keepdims=True)
        k = jnp.sum((Xs > tau).astype(jnp.float32), axis=1, keepdims=True)
        ss = s2 - s1 * s1 / k
        delta = jnp.maximum((1.0 - ss) / k, 0.0)
        tau = tau + s1 / k - jnp.sqrt(delta)

    r = jnp.maximum(Xs - tau, 0.0)
    row_loss = ((1.0 - jnp.sum(r * r * r, axis=1)) / 0.75
                + jnp.sum(r * r * x, axis=1))
    block_sum = jnp.sum(row_loss).reshape(1, 1)

    @pl.when(pl.program_id(0) == 0)
    def _():
        out_ref[...] = jnp.zeros((1, 1), jnp.float32)

    out_ref[...] += block_sum


_GRAN = 128


def _sc_gather_granules(x128, tgt, n: int, C: int):
    NW = _NUM_CORES * _NUM_SUBCORES
    chunk = n // NW
    nb = chunk // _LANES

    mesh = plsc.VectorSubcoreMesh(core_axis_name="c", subcore_axis_name="s")

    @functools.partial(
        pl.kernel, mesh=mesh,
        out_type=jax.ShapeDtypeStruct((n, _GRAN), jnp.float32),
        scratch_types=[
            pltpu.VMEM((chunk,), jnp.int32),
            pltpu.VMEM((chunk,), jnp.int32),
            pltpu.VMEM((chunk, _GRAN), jnp.float32),
            pltpu.SemaphoreType.DMA,
        ],
    )
    def sc_gather(x_hbm, tgt_hbm, out_hbm, tgt_v, idx_v, rows_v, sem):
        wid = lax.axis_index("s") * _NUM_CORES + lax.axis_index("c")
        base = wid * chunk
        pltpu.sync_copy(tgt_hbm.at[pl.ds(base, chunk)], tgt_v)
        iota = lax.iota(jnp.int32, _LANES)
        for b in range(nb):
            t16 = tgt_v[pl.ds(b * _LANES, _LANES)]
            p16 = (base + b * _LANES) * C + iota * C + t16
            idx_v[pl.ds(b * _LANES, _LANES)] = p16 >> 7
        pltpu.async_copy(x_hbm.at[idx_v], rows_v, sem).wait()
        pltpu.sync_copy(rows_v, out_hbm.at[pl.ds(base, chunk)])

    return sc_gather(x128, tgt)


def _select_kernel(g_ref, tgt_ref, out_ref, *, C: int, R2: int):
    blk = pl.program_id(0)
    tgt = tgt_ref[0, 0, :].reshape(R2, 1)
    row = (jax.lax.broadcasted_iota(jnp.int32, (R2, 1), 0) + blk * R2)
    lane_want = jax.lax.rem(row * C + tgt, jnp.int32(_GRAN))
    lane = jax.lax.broadcasted_iota(jnp.int32, (R2, _GRAN), 1)
    vals = jnp.where(lane == lane_want, g_ref[...], 0.0)
    block_sum = jnp.sum(vals).reshape(1, 1)

    @pl.when(blk == 0)
    def _():
        out_ref[...] = jnp.zeros((1, 1), jnp.float32)

    out_ref[...] += block_sum


@jax.jit
def kernel(input, target):
    n, C = input.shape
    R = _ROW_BLOCK
    nb = n // R
    tgt = target.astype(jnp.int32)
    x128 = input.reshape(n * C // _GRAN, _GRAN)
    granules = _sc_gather_granules(x128, tgt, n, C)
    total = pl.pallas_call(
        functools.partial(_dense_kernel, C=C),
        grid=(nb,),
        in_specs=[pl.BlockSpec((R, C), lambda i: (i, 0))],
        out_specs=pl.BlockSpec((1, 1), lambda i: (0, 0)),
        out_shape=jax.ShapeDtypeStruct((1, 1), jnp.float32),
    )(input)
    R2 = 2048
    nb2 = n // R2
    tgt3 = tgt.reshape(nb2, 1, R2)
    tgt_sum = pl.pallas_call(
        functools.partial(_select_kernel, C=C, R2=R2),
        grid=(nb2,),
        in_specs=[
            pl.BlockSpec((R2, _GRAN), lambda i: (i, 0)),
            pl.BlockSpec((1, 1, R2), lambda i: (i, 0, 0)),
        ],
        out_specs=pl.BlockSpec((1, 1), lambda i: (0, 0)),
        out_shape=jax.ShapeDtypeStruct((1, 1), jnp.float32),
    )(granules, tgt3)
    return (total[0, 0] - tgt_sum[0, 0]) / jnp.float32(n)

# --- scband reference (transcript-rebuilt; emitter-appended) ---
"""Pipeline reference for scband-tsallis15-loss-12421045420952 (READ-ONLY COPY).

The authoritative reference and input builder live on the scoring server;
editing this copy changes nothing except your own understanding.
"""

import jax, jax.numpy as jnp
import numpy as np


def _tsallis15(X):
    # X: [n, C], dim=1 projection onto the 1.5-Tsallis simplex
    max_val = jnp.max(X, axis=1, keepdims=True)
    Xs = (X - max_val) / 2.0
    Xsrt = -jnp.sort(-Xs, axis=1)  # descending sort
    C = Xs.shape[1]
    rho = jnp.arange(1, C + 1, dtype=Xs.dtype)[None, :]
    mean = jnp.cumsum(Xsrt, axis=1) / rho
    mean_sq = jnp.cumsum(Xsrt ** 2, axis=1) / rho
    ss = rho * (mean_sq - mean ** 2)
    delta = (1.0 - ss) / rho
    # sqrt(clamp(delta, 0)) computed safely (identical values)
    pos = delta > 0
    sqrt_delta = jnp.where(pos, jnp.sqrt(jnp.where(pos, delta, 1.0)), 0.0)
    tau = mean - sqrt_delta
    support_size = jnp.sum((tau <= Xsrt).astype(jnp.int32), axis=1, keepdims=True)
    tau_star = jnp.take_along_axis(tau, support_size - 1, axis=1)
    Y = jnp.clip(Xs - tau_star, 0.0, None) ** 2
    return Y


def setup_inputs(seed: int = 0) -> dict:
    key = jax.random.key(seed)
    k1, k2 = jax.random.split(key)
    n, C = 16384, 1000
    inp = jax.random.normal(k1, (n, C), dtype=jnp.float32)
    target = jax.random.randint(k2, (n,), 0, C, dtype=jnp.int64)
    return {"input": inp, "target": target}


def reference(input, target):
    n = input.shape[0]
    p_star = _tsallis15(input)
    # _omega_tsallis15: (1 - sum(p * sqrt(p))) / 0.75 ; use p**1.5 (same value)
    loss = (1.0 - jnp.sum(jnp.power(p_star, 1.5), axis=1)) / 0.75
    # scatter_add_(1, target, -1): subtract one-hot of target
    p_minus = p_star.at[jnp.arange(n), target].add(-1.0)
    loss = loss + jnp.sum(p_minus * input, axis=1)
    # ignore_index = -100 < 0, so size = n; reduction = elementwise_mean
    return jnp.sum(loss) / float(n)

if __name__ == "__main__":
    import jax
    _d = setup_inputs()
    print(jax.jit(kernel)(*tuple(_d.values())))

</pallas_src>

<mosaic_0001>
#map = affine_map<(d0, d1) -> (0, 0)>
#map1 = affine_map<(d0, d1) -> (0)>
module attributes {stable_mosaic.version = 14 : i64} {
  func.func @sc_gather(%arg0: i32, %arg1: i32, %arg2: memref<128000x128xf32, #tpu.memory_space<hbm>>, %arg3: memref<16384xi32, #tpu.memory_space<hbm>>, %arg4: memref<16384x128xf32, #tpu.memory_space<hbm>>, %arg5: memref<512xi32, #tpu.memory_space<vmem>>, %arg6: memref<512xi32, #tpu.memory_space<vmem>>, %arg7: memref<512x128xf32, #tpu.memory_space<vmem>>, %arg8: memref<!tpu.dma_semaphore, #tpu.memory_space<semaphore_mem>>) attributes {dimension_semantics = [#tpu.dimension_semantics<core_parallel>, #tpu.dimension_semantics<subcore_parallel>], iteration_bounds = array<i64: 2, 16>, scalar_prefetch = 0 : i64, scratch_operands = 4 : i64, tpu.core_type = #tpu.core_type<sc_vector_subcore>, window_params = [{transform_indices = #map}, {transform_indices = #map1}, {transform_indices = #map}]} {
    %mul3A = arith.constant 2 : i32
    %mul3A_0 = arith.muli %arg1, %mul3A : i32
    %add3A = arith.addi %mul3A_0, %arg0 : i32
    %mul3A_1 = arith.constant 512 : i32
    %mul3A_2 = arith.muli %add3A, %mul3A_1 : i32
    "tpu.region"() ({
      %run_scoped3A = tpu.sem_alloc : memref<!tpu.dma_semaphore, #tpu.memory_space<semaphore_mem>>
      %dma_start3A_644 = tpu.memref_slice %arg3[%mul3A_2] : memref<16384xi32, #tpu.memory_space<hbm>> -> memref<512xi32, #tpu.memory_space<hbm>>
      %dma_start3A_645 = tpu.memref_slice %arg3[%mul3A_2] : memref<16384xi32, #tpu.memory_space<hbm>> -> memref<512xi32, #tpu.memory_space<hbm>>
      tpu.enqueue_dma source(%dma_start3A_645 : memref<512xi32, #tpu.memory_space<hbm>>) target(%arg5 : memref<512xi32, #tpu.memory_space<vmem>>) target_semaphore(%run_scoped3A : memref<!tpu.dma_semaphore, #tpu.memory_space<semaphore_mem>>)
      %dma_wait3A_646 = tpu.memref_slice %arg3[%mul3A_2] : memref<16384xi32, #tpu.memory_space<hbm>> -> memref<512xi32, #tpu.memory_space<hbm>>
      %dma_wait3A_647 = tpu.memref_slice %arg3[%mul3A_2] : memref<16384xi32, #tpu.memory_space<hbm>> -> memref<512xi32, #tpu.memory_space<hbm>>
      tpu.wait_dma2 semaphore(%run_scoped3A : memref<!tpu.dma_semaphore, #tpu.memory_space<semaphore_mem>>) src(%dma_wait3A_647 : memref<512xi32, #tpu.memory_space<hbm>>) dst(%arg5 : memref<512xi32, #tpu.memory_space<vmem>>)
      tpu.yield
    }) : () -> ()
    %iota3A = tpu.iota {dimensions = array<i32: 0>} : vector<16xi32>
    %get3A = arith.constant 0 : index
    %get3A_3 = tpu.vector_load %arg5[%get3A] {strides = array<i32>} : memref<512xi32, #tpu.memory_space<vmem>>, vector<16xi32>,
    %get3A_4 = vector.shape_cast %get3A_3 : vector<16xi32> to vector<16xi32>
    %add3A_5 = arith.constant 0 : i32
    %add3A_6 = arith.addi %mul3A_2, %add3A_5 : i32
    %mul3A_7 = arith.constant 1000 : i32
    %mul3A_8 = arith.muli %add3A_6, %mul3A_7 : i32
    %mul3A_9 = arith.constant 1000 : i32
    %mul3A_10 = vector.broadcast %mul3A_9 : i32 to vector<16xi32>
    %mul3A_11 = arith.muli %iota3A, %mul3A_10 : vector<16xi32>
    %add3A_12 = vector.broadcast %mul3A_8 : i32 to vector<16xi32>
    %add3A_13 = arith.addi %add3A_12, %mul3A_11 : vector<16xi32>
    %add3A_14 = arith.addi %add3A_13, %get3A_4 : vector<16xi32>
    %shift_right_arithmetic3A = arith.constant 7 : i32
    %shift_right_arithmetic3A_15 = vector.broadcast %shift_right_arithmetic3A : i32 to vector<16xi32>
    %shift_right_arithmetic3A_16 = arith.shrsi %add3A_14, %shift_right_arithmetic3A_15 : vector<16xi32>
    %swap3A = arith.constant 0 : index
    %swap3A_17 = tpu.vector_load %arg6[%swap3A] {strides = array<i32>} : memref<512xi32, #tpu.memory_space<vmem>>, vector<16xi32>,
    %swap3A_18 = vector.shape_cast %swap3A_17 : vector<16xi32> to vector<16xi32>
    %swap3A_19 = vector.shape_cast %shift_right_arithmetic3A_16 : vector<16xi32> to vector<16xi32>
    tpu.vector_store %arg6[%swap3A], %swap3A_19 {strides = array<i32>} : memref<512xi32, #tpu.memory_space<vmem>>, vector<16xi32>,
    %get3A_20 = arith.constant 16 : index
    %get3A_21 = tpu.vector_load %arg5[%get3A_20] {strides = array<i32>} : memref<512xi32, #tpu.memory_space<vmem>>, vector<16xi32>,
    %get3A_22 = vector.shape_cast %get3A_21 : vector<16xi32> to vector<16xi32>
    %add3A_23 = arith.constant 16 : i32
    %add3A_24 = arith.addi %mul3A_2, %add3A_23 : i32
    %mul3A_25 = arith.constant 1000 : i32
    %mul3A_26 = arith.muli %add3A_24, %mul3A_25 : i32
    %mul3A_27 = arith.constant 1000 : i32
    %mul3A_28 = vector.broadcast %mul3A_27 : i32 to vector<16xi32>
    %mul3A_29 = arith.muli %iota3A, %mul3A_28 : vector<16xi32>
    %add3A_30 = vector.broadcast %mul3A_26 : i32 to vector<16xi32>
    %add3A_31 = arith.addi %add3A_30, %mul3A_29 : vector<16xi32>
    %add3A_32 = arith.addi %add3A_31, %get3A_22 : vector<16xi32>
    %shift_right_arithmetic3A_33 = arith.constant 7 : i32
    %shift_right_arithmetic3A_34 = vector.broadcast %shift_right_arithmetic3A_33 : i32 to vector<16xi32>
    %shift_right_arithmetic3A_35 = arith.shrsi %add3A_32, %shift_right_arithmetic3A_34 : vector<16xi32>
    %swap3A_36 = arith.constant 16 : index
    %swap3A_37 = tpu.vector_load %arg6[%swap3A_36] {strides = array<i32>} : memref<512xi32, #tpu.memory_space<vmem>>, vector<16xi32>,
    %swap3A_38 = vector.shape_cast %swap3A_37 : vector<16xi32> to vector<16xi32>
    %swap3A_39 = vector.shape_cast %shift_right_arithmetic3A_35 : vector<16xi32> to vector<16xi32>
    tpu.vector_store %arg6[%swap3A_36], %swap3A_39 {strides = array<i32>} : memref<512xi32, #tpu.memory_space<vmem>>, vector<16xi32>,
    %get3A_40 = arith.constant 32 : index
    %get3A_41 = tpu.vector_load %arg5[%get3A_40] {strides = array<i32>} : memref<512xi32, #tpu.memory_space<vmem>>, vector<16xi32>,
    %get3A_42 = vector.shape_cast %get3A_41 : vector<16xi32> to vector<16xi32>
    %add3A_43 = arith.constant 32 : i32
    %add3A_44 = arith.addi %mul3A_2, %add3A_43 : i32
    %mul3A_45 = arith.constant 1000 : i32
    %mul3A_46 = arith.muli %add3A_44, %mul3A_45 : i32
    %mul3A_47 = arith.constant 1000 : i32
    %mul3A_48 = vector.broadcast %mul3A_47 : i32 to vector<16xi32>
    %mul3A_49 = arith.muli %iota3A, %mul3A_48 : vector<16xi32>
    %add3A_50 = vector.broadcast %mul3A_46 : i32 to vector<16xi32>
    %add3A_51 = arith.addi %add3A_50, %mul3A_49 : vector<16xi32>
    %add3A_52 = arith.addi %add3A_51, %get3A_42 : vector<16xi32>
    %shift_right_arithmetic3A_53 = arith.constant 7 : i32
    %shift_right_arithmetic3A_54 = vector.broadcast %shift_right_arithmetic3A_53 : i32 to vector<16xi32>
    %shift_right_arithmetic3A_55 = arith.shrsi %add3A_52, %shift_right_arithmetic3A_54 : vector<16xi32>
    %swap3A_56 = arith.constant 32 : index
    %swap3A_57 = tpu.vector_load %arg6[%swap3A_56] {strides = array<i32>} : memref<512xi32, #tpu.memory_space<vmem>>, vector<16xi32>,
    %swap3A_58 = vector.shape_cast %swap3A_57 : vector<16xi32> to vector<16xi32>
    %swap3A_59 = vector.shape_cast %shift_right_arithmetic3A_55 : vector<16xi32> to vector<16xi32>
    tpu.vector_store %arg6[%swap3A_56], %swap3A_59 {strides = array<i32>} : memref<512xi32, #tpu.memory_space<vmem>>, vector<16xi32>,
    %get3A_60 = arith.constant 48 : index
    %get3A_61 = tpu.vector_load %arg5[%get3A_60] {strides = array<i32>} : memref<512xi32, #tpu.memory_space<vmem>>, vector<16xi32>,
    %get3A_62 = vector.shape_cast %get3A_61 : vector<16xi32> to vector<16xi32>
    %add3A_63 = arith.constant 48 : i32
    %add3A_64 = arith.addi %mul3A_2, %add3A_63 : i32
    %mul3A_65 = arith.constant 1000 : i32
    %mul3A_66 = arith.muli %add3A_64, %mul3A_65 : i32
    %mul3A_67 = arith.constant 1000 : i32
    %mul3A_68 = vector.broadcast %mul3A_67 : i32 to vector<16xi32>
    %mul3A_69 = arith.muli %iota3A, %mul3A_68 : vector<16xi32>
    %add3A_70 = vector.broadcast %mul3A_66 : i32 to vector<16xi32>
    %add3A_71 = arith.addi %add3A_70, %mul3A_69 : vector<16xi32>
    %add3A_72 = arith.addi %add3A_71, %get3A_62 : vector<16xi32>
    %shift_right_arithmetic3A_73 = arith.constant 7 : i32
    %shift_right_arithmetic3A_74 = vector.broadcast %shift_right_arithmetic3A_73 : i32 to vector<16xi32>
    %shift_right_arithmetic3A_75 = arith.shrsi %add3A_72, %shift_right_arithmetic3A_74 : vector<16xi32>
    %swap3A_76 = arith.constant 48 : index
    %swap3A_77 = tpu.vector_load %arg6[%swap3A_76] {strides = array<i32>} : memref<512xi32, #tpu.memory_space<vmem>>, vector<16xi32>,
    %swap3A_78 = vector.shape_cast %swap3A_77 : vector<16xi32> to vector<16xi32>
    %swap3A_79 = vector.shape_cast %shift_right_arithmetic3A_75 : vector<16xi32> to vector<16xi32>
    tpu.vector_store %arg6[%swap3A_76], %swap3A_79 {strides = array<i32>} : memref<512xi32, #tpu.memory_space<vmem>>, vector<16xi32>,
    %get3A_80 = arith.constant 64 : index
    %get3A_81 = tpu.vector_load %arg5[%get3A_80] {strides = array<i32>} : memref<512xi32, #tpu.memory_space<vmem>>, vector<16xi32>,
    %get3A_82 = vector.shape_cast %get3A_81 : vector<16xi32> to vector<16xi32>
    %add3A_83 = arith.constant 64 : i32
    %add3A_84 = arith.addi %mul3A_2, %add3A_83 : i32
    %mul3A_85 = arith.constant 1000 : i32
    %mul3A_86 = arith.muli %add3A_84, %mul3A_85 : i32
    %mul3A_87 = arith.constant 1000 : i32
    %mul3A_88 = vector.broadcast %mul3A_87 : i32 to vector<16xi32>
    %mul3A_89 = arith.muli %iota3A, %mul3A_88 : vector<16xi32>
    %add3A_90 = vector.broadcast %mul3A_86 : i32 to vector<16xi32>
    %add3A_91 = arith.addi %add3A_90, %mul3A_89 : vector<16xi32>
    %add3A_92 = arith.addi %add3A_91, %get3A_82 : vector<16xi32>
    %shift_right_arithmetic3A_93 = arith.constant 7 : i32
    %shift_right_arithmetic3A_94 = vector.broadcast %shift_right_arithmetic3A_93 : i32 to vector<16xi32>
    %shift_right_arithmetic3A_95 = arith.shrsi %add3A_92, %shift_right_arithmetic3A_94 : vector<16xi32>
    %swap3A_96 = arith.constant 64 : index
    %swap3A_97 = tpu.vector_load %arg6[%swap3A_96] {strides = array<i32>} : memref<512xi32, #tpu.memory_space<vmem>>, vector<16xi32>,
    %swap3A_98 = vector.shape_cast %swap3A_97 : vector<16xi32> to vector<16xi32>
    %swap3A_99 = vector.shape_cast %shift_right_arithmetic3A_95 : vector<16xi32> to vector<16xi32>
    tpu.vector_store %arg6[%swap3A_96], %swap3A_99 {strides = array<i32>} : memref<512xi32, #tpu.memory_space<vmem>>, vector<16xi32>,
    %get3A_100 = arith.constant 80 : index
    %get3A_101 = tpu.vector_load %arg5[%get3A_100] {strides = array<i32>} : memref<512xi32, #tpu.memory_space<vmem>>, vector<16xi32>,
    %get3A_102 = vector.shape_cast %get3A_101 : vector<16xi32> to vector<16xi32>
    %add3A_103 = arith.constant 80 : i32
    %add3A_104 = arith.addi %mul3A_2, %add3A_103 : i32
    %mul3A_105 = arith.constant 1000 : i32
    %mul3A_106 = arith.muli %add3A_104, %mul3A_105 : i32
    %mul3A_107 = arith.constant 1000 : i32
    %mul3A_108 = vector.broadcast %mul3A_107 : i32 to vector<16xi32>
    %mul3A_109 = arith.muli %iota3A, %mul3A_108 : vector<16xi32>
    %add3A_110 = vector.broadcast %mul3A_106 : i32 to vector<16xi32>
    %add3A_111 = arith.addi %add3A_110, %mul3A_109 : vector<16xi32>
    %add3A_112 = arith.addi %add3A_111, %get3A_102 : vector<16xi32>
    %shift_right_arithmetic3A_113 = arith.constant 7 : i32
    %shift_right_arithmetic3A_114 = vector.broadcast %shift_right_arithmetic3A_113 : i32 to vector<16xi32>
    %shift_right_arithmetic3A_115 = arith.shrsi %add3A_112, %shift_right_arithmetic3A_114 : vector<16xi32>
    %swap3A_116 = arith.constant 80 : index
    %swap3A_117 = tpu.vector_load %arg6[%swap3A_116] {strides = array<i32>} : memref<512xi32, #tpu.memory_space<vmem>>, vector<16xi32>,
    %swap3A_118 = vector.shape_cast %swap3A_117 : vector<16xi32> to vector<16xi32>
    %swap3A_119 = vector.shape_cast %shift_right_arithmetic3A_115 : vector<16xi32> to vector<16xi32>
    tpu.vector_store %arg6[%swap3A_116], %swap3A_119 {strides = array<i32>} : memref<512xi32, #tpu.memory_space<vmem>>, vector<16xi32>,
    %get3A_120 = arith.constant 96 : index
    %get3A_121 = tpu.vector_load %arg5[%get3A_120] {strides = array<i32>} : memref<512xi32, #tpu.memory_space<vmem>>, vector<16xi32>,
    %get3A_122 = vector.shape_cast %get3A_121 : vector<16xi32> to vector<16xi32>
    %add3A_123 = arith.constant 96 : i32
    %add3A_124 = arith.addi %mul3A_2, %add3A_123 : i32
    %mul3A_125 = arith.constant 1000 : i32
    %mul3A_126 = arith.muli %add3A_124, %mul3A_125 : i32
    %mul3A_127 = arith.constant 1000 : i32
    %mul3A_128 = vector.broadcast %mul3A_127 : i32 to vector<16xi32>
    %mul3A_129 = arith.muli %iota3A, %mul3A_128 : vector<16xi32>
    %add3A_130 = vector.broadcast %mul3A_126 : i32 to vector<16xi32>
    %add3A_131 = arith.addi %add3A_130, %mul3A_129 : vector<16xi32>
    %add3A_132 = arith.addi %add3A_131, %get3A_122 : vector<16xi32>
    %shift_right_arithmetic3A_133 = arith.constant 7 : i32
    %shift_right_arithmetic3A_134 = vector.broadcast %shift_right_arithmetic3A_133 : i32 to vector<16xi32>
    %shift_right_arithmetic3A_135 = arith.shrsi %add3A_132, %shift_right_arithmetic3A_134 : vector<16xi32>
    %swap3A_136 = arith.constant 96 : index
    %swap3A_137 = tpu.vector_load %arg6[%swap3A_136] {strides = array<i32>} : memref<512xi32, #tpu.memory_space<vmem>>, vector<16xi32>,
    %swap3A_138 = vector.shape_cast %swap3A_137 : vector<16xi32> to vector<16xi32>
    %swap3A_139 = vector.shape_cast %shift_right_arithmetic3A_135 : vector<16xi32> to vector<16xi32>
    tpu.vector_store %arg6[%swap3A_136], %swap3A_139 {strides = array<i32>} : memref<512xi32, #tpu.memory_space<vmem>>, vector<16xi32>,
    %get3A_140 = arith.constant 112 : index
    %get3A_141 = tpu.vector_load %arg5[%get3A_140] {strides = array<i32>} : memref<512xi32, #tpu.memory_space<vmem>>, vector<16xi32>,
    %get3A_142 = vector.shape_cast %get3A_141 : vector<16xi32> to vector<16xi32>
    %add3A_143 = arith.constant 112 : i32
    %add3A_144 = arith.addi %mul3A_2, %add3A_143 : i32
    %mul3A_145 = arith.constant 1000 : i32
    %mul3A_146 = arith.muli %add3A_144, %mul3A_145 : i32
    %mul3A_147 = arith.constant 1000 : i32
    %mul3A_148 = vector.broadcast %mul3A_147 : i32 to vector<16xi32>
    %mul3A_149 = arith.muli %iota3A, %mul3A_148 : vector<16xi32>
    %add3A_150 = vector.broadcast %mul3A_146 : i32 to vector<16xi32>
    %add3A_151 = arith.addi %add3A_150, %mul3A_149 : vector<16xi32>
    %add3A_152 = arith.addi %add3A_151, %get3A_142 : vector<16xi32>
    %shift_right_arithmetic3A_153 = arith.constant 7 : i32
    %shift_right_arithmetic3A_154 = vector.broadcast %shift_right_arithmetic3A_153 : i32 to vector<16xi32>
    %shift_right_arithmetic3A_155 = arith.shrsi %add3A_152, %shift_right_arithmetic3A_154 : vector<16xi32>
    %swap3A_156 = arith.constant 112 : index
    %swap3A_157 = tpu.vector_load %arg6[%swap3A_156] {strides = array<i32>} : memref<512xi32, #tpu.memory_space<vmem>>, vector<16xi32>,
    %swap3A_158 = vector.shape_cast %swap3A_157 : vector<16xi32> to vector<16xi32>
    %swap3A_159 = vector.shape_cast %shift_right_arithmetic3A_155 : vector<16xi32> to vector<16xi32>
    tpu.vector_store %arg6[%swap3A_156], %swap3A_159 {strides = array<i32>} : memref<512xi32, #tpu.memory_space<vmem>>, vector<16xi32>,
    %get3A_160 = arith.constant 128 : index
    %get3A_161 = tpu.vector_load %arg5[%get3A_160] {strides = array<i32>} : memref<512xi32, #tpu.memory_space<vmem>>, vector<16xi32>,
    %get3A_162 = vector.shape_cast %get3A_161 : vector<16xi32> to vector<16xi32>
    %add3A_163 = arith.constant 128 : i32
    %add3A_164 = arith.addi %mul3A_2, %add3A_163 : i32
    %mul3A_165 = arith.constant 1000 : i32
    %mul3A_166 = arith.muli %add3A_164, %mul3A_165 : i32
    %mul3A_167 = arith.constant 1000 : i32
    %mul3A_168 = vector.broadcast %mul3A_167 : i32 to vector<16xi32>
    %mul3A_169 = arith.muli %iota3A, %mul3A_168 : vector<16xi32>
    %add3A_170 = vector.broadcast %mul3A_166 : i32 to vector<16xi32>
    %add3A_171 = arith.addi %add3A_170, %mul3A_169 : vector<16xi32>
    %add3A_172 = arith.addi %add3A_171, %get3A_162 : vector<16xi32>
    %shift_right_arithmetic3A_173 = arith.constant 7 : i32
    %shift_right_arithmetic3A_174 = vector.broadcast %shift_right_arithmetic3A_173 : i32 to vector<16xi32>
    %shift_right_arithmetic3A_175 = arith.shrsi %add3A_172, %shift_right_arithmetic3A_174 : vector<16xi32>
    %swap3A_176 = arith.constant 128 : index
    %swap3A_177 = tpu.vector_load %arg6[%swap3A_176] {strides = array<i32>} : memref<512xi32, #tpu.memory_space<vmem>>, vector<16xi32>,
    %swap3A_178 = vector.shape_cast %swap3A_177 : vector<16xi32> to vector<16xi32>
    %swap3A_179 = vector.shape_cast %shift_right_arithmetic3A_175 : vector<16xi32> to vector<16xi32>
    tpu.vector_store %arg6[%swap3A_176], %swap3A_179 {strides = array<i32>} : memref<512xi32, #tpu.memory_space<vmem>>, vector<16xi32>,
    %get3A_180 = arith.constant 144 : index
    %get3A_181 = tpu.vector_load %arg5[%get3A_180] {strides = array<i32>} : memref<512xi32, #tpu.memory_space<vmem>>, vector<16xi32>,
    %get3A_182 = vector.shape_cast %get3A_181 : vector<16xi32> to vector<16xi32>
    %add3A_183 = arith.constant 144 : i32
    %add3A_184 = arith.addi %mul3A_2, %add3A_183 : i32
    %mul3A_185 = arith.constant 1000 : i32
    %mul3A_186 = arith.muli %add3A_184, %mul3A_185 : i32
    %mul3A_187 = arith.constant 1000 : i32
    %mul3A_188 = vector.broadcast %mul3A_187 : i32 to vector<16xi32>
    %mul3A_189 = arith.muli %iota3A, %mul3A_188 : vector<16xi32>
    %add3A_190 = vector.broadcast %mul3A_186 : i32 to vector<16xi32>
    %add3A_191 = arith.addi %add3A_190, %mul3A_189 : vector<16xi32>
    %add3A_192 = arith.addi %add3A_191, %get3A_182 : vector<16xi32>
    %shift_right_arithmetic3A_193 = arith.constant 7 : i32
    %shift_right_arithmetic3A_194 = vector.broadcast %shift_right_arithmetic3A_193 : i32 to vector<16xi32>
    %shift_right_arithmetic3A_195 = arith.shrsi %add3A_192, %shift_right_arithmetic3A_194 : vector<16xi32>
    %swap3A_196 = arith.constant 144 : index
    %swap3A_197 = tpu.vector_load %arg6[%swap3A_196] {strides = array<i32>} : memref<512xi32, #tpu.memory_space<vmem>>, vector<16xi32>,
    %swap3A_198 = vector.shape_cast %swap3A_197 : vector<16xi32> to vector<16xi32>
    %swap3A_199 = vector.shape_cast %shift_right_arithmetic3A_195 : vector<16xi32> to vector<16xi32>
    tpu.vector_store %arg6[%swap3A_196], %swap3A_199 {strides = array<i32>} : memref<512xi32, #tpu.memory_space<vmem>>, vector<16xi32>,
    %get3A_200 = arith.constant 160 : index
    %get3A_201 = tpu.vector_load %arg5[%get3A_200] {strides = array<i32>} : memref<512xi32, #tpu.memory_space<vmem>>, vector<16xi32>,
    %get3A_202 = vector.shape_cast %get3A_201 : vector<16xi32> to vector<16xi32>
    %add3A_203 = arith.constant 160 : i32
    %add3A_204 = arith.addi %mul3A_2, %add3A_203 : i32
    %mul3A_205 = arith.constant 1000 : i32
    %mul3A_206 = arith.muli %add3A_204, %mul3A_205 : i32
    %mul3A_207 = arith.constant 1000 : i32
    %mul3A_208 = vector.broadcast %mul3A_207 : i32 to vector<16xi32>
    %mul3A_209 = arith.muli %iota3A, %mul3A_208 : vector<16xi32>
    %add3A_210 = vector.broadcast %mul3A_206 : i32 to vector<16xi32>
    %add3A_211 = arith.addi %add3A_210, %mul3A_209 : vector<16xi32>
    %add3A_212 = arith.addi %add3A_211, %get3A_202 : vector<16xi32>
    %shift_right_arithmetic3A_213 = arith.constant 7 : i32
    %shift_right_arithmetic3A_214 = vector.broadcast %shift_right_arithmetic3A_213 : i32 to vector<16xi32>
    %shift_right_arithmetic3A_215 = arith.shrsi %add3A_212, %shift_right_arithmetic3A_214 : vector<16xi32>
    %swap3A_216 = arith.constant 160 : index
    %swap3A_217 = tpu.vector_load %arg6[%swap3A_216] {strides = array<i32>} : memref<512xi32, #tpu.memory_space<vmem>>, vector<16xi32>,
    %swap3A_218 = vector.shape_cast %swap3A_217 : vector<16xi32> to vector<16xi32>
    %swap3A_219 = vector.shape_cast %shift_right_arithmetic3A_215 : vector<16xi32> to vector<16xi32>
    tpu.vector_store %arg6[%swap3A_216], %swap3A_219 {strides = array<i32>} : memref<512xi32, #tpu.memory_space<vmem>>, vector<16xi32>,
    %get3A_220 = arith.constant 176 : index
    %get3A_221 = tpu.vector_load %arg5[%get3A_220] {strides = array<i32>} : memref<512xi32, #tpu.memory_space<vmem>>, vector<16xi32>,
    %get3A_222 = vector.shape_cast %get3A_221 : vector<16xi32> to vector<16xi32>
    %add3A_223 = arith.constant 176 : i32
    %add3A_224 = arith.addi %mul3A_2, %add3A_223 : i32
    %mul3A_225 = arith.constant 1000 : i32
    %mul3A_226 = arith.muli %add3A_224, %mul3A_225 : i32
    %mul3A_227 = arith.constant 1000 : i32
    %mul3A_228 = vector.broadcast %mul3A_227 : i32 to vector<16xi32>
    %mul3A_229 = arith.muli %iota3A, %mul3A_228 : vector<16xi32>
    %add3A_230 = vector.broadcast %mul3A_226 : i32 to vector<16xi32>
    %add3A_231 = arith.addi %add3A_230, %mul3A_229 : vector<16xi32>
    %add3A_232 = arith.addi %add3A_231, %get3A_222 : vector<16xi32>
    %shift_right_arithmetic3A_233 = arith.constant 7 : i32
    %shift_right_arithmetic3A_234 = vector.broadcast %shift_right_arithmetic3A_233 : i32 to vector<16xi32>
    %shift_right_arithmetic3A_235 = arith.shrsi %add3A_232, %shift_right_arithmetic3A_234 : vector<16xi32>
    %swap3A_236 = arith.constant 176 : index
    %swap3A_237 = tpu.vector_load %arg6[%swap3A_236] {strides = array<i32>} : memref<512xi32, #tpu.memory_space<vmem>>, vector<16xi32>,
    %swap3A_238 = vector.shape_cast %swap3A_237 : vector<16xi32> to vector<16xi32>
    %swap3A_239 = vector.shape_cast %shift_right_arithmetic3A_235 : vector<16xi32> to vector<16xi32>
    tpu.vector_store %arg6[%swap3A_236], %swap3A_239 {strides = array<i32>} : memref<512xi32, #tpu.memory_space<vmem>>, vector<16xi32>,
    %get3A_240 = arith.constant 192 : index
    %get3A_241 = tpu.vector_load %arg5[%get3A_240] {strides = array<i32>} : memref<512xi32, #tpu.memory_space<vmem>>, vector<16xi32>,
    %get3A_242 = vector.shape_cast %get3A_241 : vector<16xi32> to vector<16xi32>
    %add3A_243 = arith.constant 192 : i32
    %add3A_244 = arith.addi %mul3A_2, %add3A_243 : i32
    %mul3A_245 = arith.constant 1000 : i32
    %mul3A_246 = arith.muli %add3A_244, %mul3A_245 : i32
    %mul3A_247 = arith.constant 1000 : i32
    %mul3A_248 = vector.broadcast %mul3A_247 : i32 to vector<16xi32>
    %mul3A_249 = arith.muli %iota3A, %mul3A_248 : vector<16xi32>
    %add3A_250 = vector.broadcast %mul3A_246 : i32 to vector<16xi32>
    %add3A_251 = arith.addi %add3A_250, %mul3A_249 : vector<16xi32>
    %add3A_252 = arith.addi %add3A_251, %get3A_242 : vector<16xi32>
    %shift_right_arithmetic3A_253 = arith.constant 7 : i32
    %shift_right_arithmetic3A_254 = vector.broadcast %shift_right_arithmetic3A_253 : i32 to vector<16xi32>
    %shift_right_arithmetic3A_255 = arith.shrsi %add3A_252, %shift_right_arithmetic3A_254 : vector<16xi32>
    %swap3A_256 = arith.constant 192 : index
    %swap3A_257 = tpu.vector_load %arg6[%swap3A_256] {strides = array<i32>} : memref<512xi32, #tpu.memory_space<vmem>>, vector<16xi32>,
    %swap3A_258 = vector.shape_cast %swap3A_257 : vector<16xi32> to vector<16xi32>
    %swap3A_259 = vector.shape_cast %shift_right_arithmetic3A_255 : vector<16xi32> to vector<16xi32>
    tpu.vector_store %arg6[%swap3A_256], %swap3A_259 {strides = array<i32>} : memref<512xi32, #tpu.memory_space<vmem>>, vector<16xi32>,
    %get3A_260 = arith.constant 208 : index
    %get3A_261 = tpu.vector_load %arg5[%get3A_260] {strides = array<i32>} : memref<512xi32, #tpu.memory_space<vmem>>, vector<16xi32>,
    %get3A_262 = vector.shape_cast %get3A_261 : vector<16xi32> to vector<16xi32>
    %add3A_263 = arith.constant 208 : i32
    %add3A_264 = arith.addi %mul3A_2, %add3A_263 : i32
    %mul3A_265 = arith.constant 1000 : i32
    %mul3A_266 = arith.muli %add3A_264, %mul3A_265 : i32
    %mul3A_267 = arith.constant 1000 : i32
    %mul3A_268 = vector.broadcast %mul3A_267 : i32 to vector<16xi32>
    %mul3A_269 = arith.muli %iota3A, %mul3A_268 : vector<16xi32>
    %add3A_270 = vector.broadcast %mul3A_266 : i32 to vector<16xi32>
    %add3A_271 = arith.addi %add3A_270, %mul3A_269 : vector<16xi32>
    %add3A_272 = arith.addi %add3A_271, %get3A_262 : vector<16xi32>
    %shift_right_arithmetic3A_273 = arith.constant 7 : i32
    %shift_right_arithmetic3A_274 = vector.broadcast %shift_right_arithmetic3A_273 : i32 to vector<16xi32>
    %shift_right_arithmetic3A_275 = arith.shrsi %add3A_272, %shift_right_arithmetic3A_274 : vector<16xi32>
    %swap3A_276 = arith.constant 208 : index
    %swap3A_277 = tpu.vector_load %arg6[%swap3A_276] {strides = array<i32>} : memref<512xi32, #tpu.memory_space<vmem>>, vector<16xi32>,
    %swap3A_278 = vector.shape_cast %swap3A_277 : vector<16xi32> to vector<16xi32>
    %swap3A_279 = vector.shape_cast %shift_right_arithmetic3A_275 : vector<16xi32> to vector<16xi32>
    tpu.vector_store %arg6[%swap3A_276], %swap3A_279 {strides = array<i32>} : memref<512xi32, #tpu.memory_space<vmem>>, vector<16xi32>,
    %get3A_280 = arith.constant 224 : index
    %get3A_281 = tpu.vector_load %arg5[%get3A_280] {strides = array<i32>} : memref<512xi32, #tpu.memory_space<vmem>>, vector<16xi32>,
    %get3A_282 = vector.shape_cast %get3A_281 : vector<16xi32> to vector<16xi32>
    %add3A_283 = arith.constant 224 : i32
    %add3A_284 = arith.addi %mul3A_2, %add3A_283 : i32
    %mul3A_285 = arith.constant 1000 : i32
    %mul3A_286 = arith.muli %add3A_284, %mul3A_285 : i32
    %mul3A_287 = arith.constant 1000 : i32
    %mul3A_288 = vector.broadcast %mul3A_287 : i32 to vector<16xi32>
    %mul3A_289 = arith.muli %iota3A, %mul3A_288 : vector<16xi32>
    %add3A_290 = vector.broadcast %mul3A_286 : i32 to vector<16xi32>
    %add3A_291 = arith.addi %add3A_290, %mul3A_289 : vector<16xi32>
    %add3A_292 = arith.addi %add3A_291, %get3A_282 : vector<16xi32>
    %shift_right_arithmetic3A_293 = arith.constant 7 : i32
    %shift_right_arithmetic3A_294 = vector.broadcast %shift_right_arithmetic3A_293 : i32 to vector<16xi32>
    %shift_right_arithmetic3A_295 = arith.shrsi %add3A_292, %shift_right_arithmetic3A_294 : vector<16xi32>
    %swap3A_296 = arith.constant 224 : index
    %swap3A_297 = tpu.vector_load %arg6[%swap3A_296] {strides = array<i32>} : memref<512xi32, #tpu.memory_space<vmem>>, vector<16xi32>,
    %swap3A_298 = vector.shape_cast %swap3A_297 : vector<16xi32> to vector<16xi32>
    %swap3A_299 = vector.shape_cast %shift_right_arithmetic3A_295 : vector<16xi32> to vector<16xi32>
    tpu.vector_store %arg6[%swap3A_296], %swap3A_299 {strides = array<i32>} : memref<512xi32, #tpu.memory_space<vmem>>, vector<16xi32>,
    %get3A_300 = arith.constant 240 : index
    %get3A_301 = tpu.vector_load %arg5[%get3A_300] {strides = array<i32>} : memref<512xi32, #tpu.memory_space<vmem>>, vector<16xi32>,
    %get3A_302 = vector.shape_cast %get3A_301 : vector<16xi32> to vector<16xi32>
    %add3A_303 = arith.constant 240 : i32
    %add3A_304 = arith.addi %mul3A_2, %add3A_303 : i32
    %mul3A_305 = arith.constant 1000 : i32
    %mul3A_306 = arith.muli %add3A_304, %mul3A_305 : i32
    %mul3A_307 = arith.constant 1000 : i32
    %mul3A_308 = vector.broadcast %mul3A_307 : i32 to vector<16xi32>
    %mul3A_309 = arith.muli %iota3A, %mul3A_308 : vector<16xi32>
    %add3A_310 = vector.broadcast %mul3A_306 : i32 to vector<16xi32>
    %add3A_311 = arith.addi %add3A_310, %mul3A_309 : vector<16xi32>
    %add3A_312 = arith.addi %add3A_311, %get3A_302 : vector<16xi32>
    %shift_right_arithmetic3A_313 = arith.constant 7 : i32
    %shift_right_arithmetic3A_314 = vector.broadcast %shift_right_arithmetic3A_313 : i32 to vector<16xi32>
    %shift_right_arithmetic3A_315 = arith.shrsi %add3A_312, %shift_right_arithmetic3A_314 : vector<16xi32>
    %swap3A_316 = arith.constant 240 : index
    %swap3A_317 = tpu.vector_load %arg6[%swap3A_316] {strides = array<i32>} : memref<512xi32, #tpu.memory_space<vmem>>, vector<16xi32>,
    %swap3A_318 = vector.shape_cast %swap3A_317 : vector<16xi32> to vector<16xi32>
    %swap3A_319 = vector.shape_cast %shift_right_arithmetic3A_315 : vector<16xi32> to vector<16xi32>
    tpu.vector_store %arg6[%swap3A_316], %swap3A_319 {strides = array<i32>} : memref<512xi32, #tpu.memory_space<vmem>>, vector<16xi32>,
    %get3A_320 = arith.constant 256 : index
    %get3A_321 = tpu.vector_load %arg5[%get3A_320] {strides = array<i32>} : memref<512xi32, #tpu.memory_space<vmem>>, vector<16xi32>,
    %get3A_322 = vector.shape_cast %get3A_321 : vector<16xi32> to vector<16xi32>
    %add3A_323 = arith.constant 256 : i32
    %add3A_324 = arith.addi %mul3A_2, %add3A_323 : i32
    %mul3A_325 = arith.constant 1000 : i32
    %mul3A_326 = arith.muli %add3A_324, %mul3A_325 : i32
    %mul3A_327 = arith.constant 1000 : i32
    %mul3A_328 = vector.broadcast %mul3A_327 : i32 to vector<16xi32>
    %mul3A_329 = arith.muli %iota3A, %mul3A_328 : vector<16xi32>
    %add3A_330 = vector.broadcast %mul3A_326 : i32 to vector<16xi32>
    %add3A_331 = arith.addi %add3A_330, %mul3A_329 : vector<16xi32>
    %add3A_332 = arith.addi %add3A_331, %get3A_322 : vector<16xi32>
    %shift_right_arithmetic3A_333 = arith.constant 7 : i32
    %shift_right_arithmetic3A_334 = vector.broadcast %shift_right_arithmetic3A_333 : i32 to vector<16xi32>
    %shift_right_arithmetic3A_335 = arith.shrsi %add3A_332, %shift_right_arithmetic3A_334 : vector<16xi32>
    %swap3A_336 = arith.constant 256 : index
    %swap3A_337 = tpu.vector_load %arg6[%swap3A_336] {strides = array<i32>} : memref<512xi32, #tpu.memory_space<vmem>>, vector<16xi32>,
    %swap3A_338 = vector.shape_cast %swap3A_337 : vector<16xi32> to vector<16xi32>
    %swap3A_339 = vector.shape_cast %shift_right_arithmetic3A_335 : vector<16xi32> to vector<16xi32>
    tpu.vector_store %arg6[%swap3A_336], %swap3A_339 {strides = array<i32>} : memref<512xi32, #tpu.memory_space<vmem>>, vector<16xi32>,
    %get3A_340 = arith.constant 272 : index
    %get3A_341 = tpu.vector_load %arg5[%get3A_340] {strides = array<i32>} : memref<512xi32, #tpu.memory_space<vmem>>, vector<16xi32>,
    %get3A_342 = vector.shape_cast %get3A_341 : vector<16xi32> to vector<16xi32>
    %add3A_343 = arith.constant 272 : i32
    %add3A_344 = arith.addi %mul3A_2, %add3A_343 : i32
    %mul3A_345 = arith.constant 1000 : i32
    %mul3A_346 = arith.muli %add3A_344, %mul3A_345 : i32
    %mul3A_347 = arith.constant 1000 : i32
    %mul3A_348 = vector.broadcast %mul3A_347 : i32 to vector<16xi32>
    %mul3A_349 = arith.muli %iota3A, %mul3A_348 : vector<16xi32>
    %add3A_350 = vector.broadcast %mul3A_346 : i32 to vector<16xi32>
    %add3A_351 = arith.addi %add3A_350, %mul3A_349 : vector<16xi32>
    %add3A_352 = arith.addi %add3A_351, %get3A_342 : vector<16xi32>
    %shift_right_arithmetic3A_353 = arith.constant 7 : i32
    %shift_right_arithmetic3A_354 = vector.broadcast %shift_right_arithmetic3A_353 : i32 to vector<16xi32>
    %shift_right_arithmetic3A_355 = arith.shrsi %add3A_352, %shift_right_arithmetic3A_354 : vector<16xi32>
    %swap3A_356 = arith.constant 272 : index
    %swap3A_357 = tpu.vector_load %arg6[%swap3A_356] {strides = array<i32>} : memref<512xi32, #tpu.memory_space<vmem>>, vector<16xi32>,
    %swap3A_358 = vector.shape_cast %swap3A_357 : vector<16xi32> to vector<16xi32>
    %swap3A_359 = vector.shape_cast %shift_right_arithmetic3A_355 : vector<16xi32> to vector<16xi32>
    tpu.vector_store %arg6[%swap3A_356], %swap3A_359 {strides = array<i32>} : memref<512xi32, #tpu.memory_space<vmem>>, vector<16xi32>,
    %get3A_360 = arith.constant 288 : index
    %get3A_361 = tpu.vector_load %arg5[%get3A_360] {strides = array<i32>} : memref<512xi32, #tpu.memory_space<vmem>>, vector<16xi32>,
    %get3A_362 = vector.shape_cast %get3A_361 : vector<16xi32> to vector<16xi32>
    %add3A_363 = arith.constant 288 : i32
    %add3A_364 = arith.addi %mul3A_2, %add3A_363 : i32
    %mul3A_365 = arith.constant 1000 : i32
    %mul3A_366 = arith.muli %add3A_364, %mul3A_365 : i32
    %mul3A_367 = arith.constant 1000 : i32
    %mul3A_368 = vector.broadcast %mul3A_367 : i32 to vector<16xi32>
    %mul3A_369 = arith.muli %iota3A, %mul3A_368 : vector<16xi32>
    %add3A_370 = vector.broadcast %mul3A_366 : i32 to vector<16xi32>
    %add3A_371 = arith.addi %add3A_370, %mul3A_369 : vector<16xi32>
    %add3A_372 = arith.addi %add3A_371, %get3A_362 : vector<16xi32>
    %shift_right_arithmetic3A_373 = arith.constant 7 : i32
    %shift_right_arithmetic3A_374 = vector.broadcast %shift_right_arithmetic3A_373 : i32 to vector<16xi32>
    %shift_right_arithmetic3A_375 = arith.shrsi %add3A_372, %shift_right_arithmetic3A_374 : vector<16xi32>
    %swap3A_376 = arith.constant 288 : index
    %swap3A_377 = tpu.vector_load %arg6[%swap3A_376] {strides = array<i32>} : memref<512xi32, #tpu.memory_space<vmem>>, vector<16xi32>,
    %swap3A_378 = vector.shape_cast %swap3A_377 : vector<16xi32> to vector<16xi32>
    %swap3A_379 = vector.shape_cast %shift_right_arithmetic3A_375 : vector<16xi32> to vector<16xi32>
    tpu.vector_store %arg6[%swap3A_376], %swap3A_379 {strides = array<i32>} : memref<512xi32, #tpu.memory_space<vmem>>, vector<16xi32>,
    %get3A_380 = arith.constant 304 : index
    %get3A_381 = tpu.vector_load %arg5[%get3A_380] {strides = array<i32>} : memref<512xi32, #tpu.memory_space<vmem>>, vector<16xi32>,
    %get3A_382 = vector.shape_cast %get3A_381 : vector<16xi32> to vector<16xi32>
    %add3A_383 = arith.constant 304 : i32
    %add3A_384 = arith.addi %mul3A_2, %add3A_383 : i32
    %mul3A_385 = arith.constant 1000 : i32
    %mul3A_386 = arith.muli %add3A_384, %mul3A_385 : i32
    %mul3A_387 = arith.constant 1000 : i32
    %mul3A_388 = vector.broadcast %mul3A_387 : i32 to vector<16xi32>
    %mul3A_389 = arith.muli %iota3A, %mul3A_388 : vector<16xi32>
    %add3A_390 = vector.broadcast %mul3A_386 : i32 to vector<16xi32>
    %add3A_391 = arith.addi %add3A_390, %mul3A_389 : vector<16xi32>
    %add3A_392 = arith.addi %add3A_391, %get3A_382 : vector<16xi32>
    %shift_right_arithmetic3A_393 = arith.constant 7 : i32
    %shift_right_arithmetic3A_394 = vector.broadcast %shift_right_arithmetic3A_393 : i32 to vector<16xi32>
    %shift_right_arithmetic3A_395 = arith.shrsi %add3A_392, %shift_right_arithmetic3A_394 : vector<16xi32>
    %swap3A_396 = arith.constant 304 : index
    %swap3A_397 = tpu.vector_load %arg6[%swap3A_396] {strides = array<i32>} : memref<512xi32, #tpu.memory_space<vmem>>, vector<16xi32>,
    %swap3A_398 = vector.shape_cast %swap3A_397 : vector<16xi32> to vector<16xi32>
    %swap3A_399 = vector.shape_cast %shift_right_arithmetic3A_395 : vector<16xi32> to vector<16xi32>
    tpu.vector_store %arg6[%swap3A_396], %swap3A_399 {strides = array<i32>} : memref<512xi32, #tpu.memory_space<vmem>>, vector<16xi32>,
    %get3A_400 = arith.constant 320 : index
    %get3A_401 = tpu.vector_load %arg5[%get3A_400] {strides = array<i32>} : memref<512xi32, #tpu.memory_space<vmem>>, vector<16xi32>,
    %get3A_402 = vector.shape_cast %get3A_401 : vector<16xi32> to vector<16xi32>
    %add3A_403 = arith.constant 320 : i32
    %add3A_404 = arith.addi %mul3A_2, %add3A_403 : i32
    %mul3A_405 = arith.constant 1000 : i32
    %mul3A_406 = arith.muli %add3A_404, %mul3A_405 : i32
    %mul3A_407 = arith.constant 1000 : i32
    %mul3A_408 = vector.broadcast %mul3A_407 : i32 to vector<16xi32>
    %mul3A_409 = arith.muli %iota3A, %mul3A_408 : vector<16xi32>
    %add3A_410 = vector.broadcast %mul3A_406 : i32 to vector<16xi32>
    %add3A_411 = arith.addi %add3A_410, %mul3A_409 : vector<16xi32>
    %add3A_412 = arith.addi %add3A_411, %get3A_402 : vector<16xi32>
    %shift_right_arithmetic3A_413 = arith.constant 7 : i32
    %shift_right_arithmetic3A_414 = vector.broadcast %shift_right_arithmetic3A_413 : i32 to vector<16xi32>
    %shift_right_arithmetic3A_415 = arith.shrsi %add3A_412, %shift_right_arithmetic3A_414 : vector<16xi32>
    %swap3A_416 = arith.constant 320 : index
    %swap3A_417 = tpu.vector_load %arg6[%swap3A_416] {strides = array<i32>} : memref<512xi32, #tpu.memory_space<vmem>>, vector<16xi32>,
    %swap3A_418 = vector.shape_cast %swap3A_417 : vector<16xi32> to vector<16xi32>
    %swap3A_419 = vector.shape_cast %shift_right_arithmetic3A_415 : vector<16xi32> to vector<16xi32>
    tpu.vector_store %arg6[%swap3A_416], %swap3A_419 {strides = array<i32>} : memref<512xi32, #tpu.memory_space<vmem>>, vector<16xi32>,
    %get3A_420 = arith.constant 336 : index
    %get3A_421 = tpu.vector_load %arg5[%get3A_420] {strides = array<i32>} : memref<512xi32, #tpu.memory_space<vmem>>, vector<16xi32>,
    %get3A_422 = vector.shape_cast %get3A_421 : vector<16xi32> to vector<16xi32>
    %add3A_423 = arith.constant 336 : i32
    %add3A_424 = arith.addi %mul3A_2, %add3A_423 : i32
    %mul3A_425 = arith.constant 1000 : i32
    %mul3A_426 = arith.muli %add3A_424, %mul3A_425 : i32
    %mul3A_427 = arith.constant 1000 : i32
    %mul3A_428 = vector.broadcast %mul3A_427 : i32 to vector<16xi32>
    %mul3A_429 = arith.muli %iota3A, %mul3A_428 : vector<16xi32>
    %add3A_430 = vector.broadcast %mul3A_426 : i32 to vector<16xi32>
    %add3A_431 = arith.addi %add3A_430, %mul3A_429 : vector<16xi32>
    %add3A_432 = arith.addi %add3A_431, %get3A_422 : vector<16xi32>
    %shift_right_arithmetic3A_433 = arith.constant 7 : i32
    %shift_right_arithmetic3A_434 = vector.broadcast %shift_right_arithmetic3A_433 : i32 to vector<16xi32>
    %shift_right_arithmetic3A_435 = arith.shrsi %add3A_432, %shift_right_arithmetic3A_434 : vector<16xi32>
    %swap3A_436 = arith.constant 336 : index
    %swap3A_437 = tpu.vector_load %arg6[%swap3A_436] {strides = array<i32>} : memref<512xi32, #tpu.memory_space<vmem>>, vector<16xi32>,
    %swap3A_438 = vector.shape_cast %swap3A_437 : vector<16xi32> to vector<16xi32>
    %swap3A_439 = vector.shape_cast %shift_right_arithmetic3A_435 : vector<16xi32> to vector<16xi32>
    tpu.vector_store %arg6[%swap3A_436], %swap3A_439 {strides = array<i32>} : memref<512xi32, #tpu.memory_space<vmem>>, vector<16xi32>,
    %get3A_440 = arith.constant 352 : index
    %get3A_441 = tpu.vector_load %arg5[%get3A_440] {strides = array<i32>} : memref<512xi32, #tpu.memory_space<vmem>>, vector<16xi32>,
    %get3A_442 = vector.shape_cast %get3A_441 : vector<16xi32> to vector<16xi32>
    %add3A_443 = arith.constant 352 : i32
    %add3A_444 = arith.addi %mul3A_2, %add3A_443 : i32
    %mul3A_445 = arith.constant 1000 : i32
    %mul3A_446 = arith.muli %add3A_444, %mul3A_445 : i32
    %mul3A_447 = arith.constant 1000 : i32
    %mul3A_448 = vector.broadcast %mul3A_447 : i32 to vector<16xi32>
    %mul3A_449 = arith.muli %iota3A, %mul3A_448 : vector<16xi32>
    %add3A_450 = vector.broadcast %mul3A_446 : i32 to vector<16xi32>
    %add3A_451 = arith.addi %add3A_450, %mul3A_449 : vector<16xi32>
    %add3A_452 = arith.addi %add3A_451, %get3A_442 : vector<16xi32>
    %shift_right_arithmetic3A_453 = arith.constant 7 : i32
    %shift_right_arithmetic3A_454 = vector.broadcast %shift_right_arithmetic3A_453 : i32 to vector<16xi32>
    %shift_right_arithmetic3A_455 = arith.shrsi %add3A_452, %shift_right_arithmetic3A_454 : vector<16xi32>
    %swap3A_456 = arith.constant 352 : index
    %swap3A_457 = tpu.vector_load %arg6[%swap3A_456] {strides = array<i32>} : memref<512xi32, #tpu.memory_space<vmem>>, vector<16xi32>,
    %swap3A_458 = vector.shape_cast %swap3A_457 : vector<16xi32> to vector<16xi32>
    %swap3A_459 = vector.shape_cast %shift_right_arithmetic3A_455 : vector<16xi32> to vector<16xi32>
    tpu.vector_store %arg6[%swap3A_456], %swap3A_459 {strides = array<i32>} : memref<512xi32, #tpu.memory_space<vmem>>, vector<16xi32>,
    %get3A_460 = arith.constant 368 : index
    %get3A_461 = tpu.vector_load %arg5[%get3A_460] {strides = array<i32>} : memref<512xi32, #tpu.memory_space<vmem>>, vector<16xi32>,
    %get3A_462 = vector.shape_cast %get3A_461 : vector<16xi32> to vector<16xi32>
    %add3A_463 = arith.constant 368 : i32
    %add3A_464 = arith.addi %mul3A_2, %add3A_463 : i32
    %mul3A_465 = arith.constant 1000 : i32
    %mul3A_466 = arith.muli %add3A_464, %mul3A_465 : i32
    %mul3A_467 = arith.constant 1000 : i32
    %mul3A_468 = vector.broadcast %mul3A_467 : i32 to vector<16xi32>
    %mul3A_469 = arith.muli %iota3A, %mul3A_468 : vector<16xi32>
    %add3A_470 = vector.broadcast %mul3A_466 : i32 to vector<16xi32>
    %add3A_471 = arith.addi %add3A_470, %mul3A_469 : vector<16xi32>
    %add3A_472 = arith.addi %add3A_471, %get3A_462 : vector<16xi32>
    %shift_right_arithmetic3A_473 = arith.constant 7 : i32
    %shift_right_arithmetic3A_474 = vector.broadcast %shift_right_arithmetic3A_473 : i32 to vector<16xi32>
    %shift_right_arithmetic3A_475 = arith.shrsi %add3A_472, %shift_right_arithmetic3A_474 : vector<16xi32>
    %swap3A_476 = arith.constant 368 : index
    %swap3A_477 = tpu.vector_load %arg6[%swap3A_476] {strides = array<i32>} : memref<512xi32, #tpu.memory_space<vmem>>, vector<16xi32>,
    %swap3A_478 = vector.shape_cast %swap3A_477 : vector<16xi32> to vector<16xi32>
    %swap3A_479 = vector.shape_cast %shift_right_arithmetic3A_475 : vector<16xi32> to vector<16xi32>
    tpu.vector_store %arg6[%swap3A_476], %swap3A_479 {strides = array<i32>} : memref<512xi32, #tpu.memory_space<vmem>>, vector<16xi32>,
    %get3A_480 = arith.constant 384 : index
    %get3A_481 = tpu.vector_load %arg5[%get3A_480] {strides = array<i32>} : memref<512xi32, #tpu.memory_space<vmem>>, vector<16xi32>,
    %get3A_482 = vector.shape_cast %get3A_481 : vector<16xi32> to vector<16xi32>
    %add3A_483 = arith.constant 384 : i32
    %add3A_484 = arith.addi %mul3A_2, %add3A_483 : i32
    %mul3A_485 = arith.constant 1000 : i32
    %mul3A_486 = arith.muli %add3A_484, %mul3A_485 : i32
    %mul3A_487 = arith.constant 1000 : i32
    %mul3A_488 = vector.broadcast %mul3A_487 : i32 to vector<16xi32>
    %mul3A_489 = arith.muli %iota3A, %mul3A_488 : vector<16xi32>
    %add3A_490 = vector.broadcast %mul3A_486 : i32 to vector<16xi32>
    %add3A_491 = arith.addi %add3A_490, %mul3A_489 : vector<16xi32>
    %add3A_492 = arith.addi %add3A_491, %get3A_482 : vector<16xi32>
    %shift_right_arithmetic3A_493 = arith.constant 7 : i32
    %shift_right_arithmetic3A_494 = vector.broadcast %shift_right_arithmetic3A_493 : i32 to vector<16xi32>
    %shift_right_arithmetic3A_495 = arith.shrsi %add3A_492, %shift_right_arithmetic3A_494 : vector<16xi32>
    %swap3A_496 = arith.constant 384 : index
    %swap3A_497 = tpu.vector_load %arg6[%swap3A_496] {strides = array<i32>} : memref<512xi32, #tpu.memory_space<vmem>>, vector<16xi32>,
    %swap3A_498 = vector.shape_cast %swap3A_497 : vector<16xi32> to vector<16xi32>
    %swap3A_499 = vector.shape_cast %shift_right_arithmetic3A_495 : vector<16xi32> to vector<16xi32>
    tpu.vector_store %arg6[%swap3A_496], %swap3A_499 {strides = array<i32>} : memref<512xi32, #tpu.memory_space<vmem>>, vector<16xi32>,
    %get3A_500 = arith.constant 400 : index
    %get3A_501 = tpu.vector_load %arg5[%get3A_500] {strides = array<i32>} : memref<512xi32, #tpu.memory_space<vmem>>, vector<16xi32>,
    %get3A_502 = vector.shape_cast %get3A_501 : vector<16xi32> to vector<16xi32>
    %add3A_503 = arith.constant 400 : i32
    %add3A_504 = arith.addi %mul3A_2, %add3A_503 : i32
    %mul3A_505 = arith.constant 1000 : i32
    %mul3A_506 = arith.muli %add3A_504, %mul3A_505 : i32
    %mul3A_507 = arith.constant 1000 : i32
    %mul3A_508 = vector.broadcast %mul3A_507 : i32 to vector<16xi32>
    %mul3A_509 = arith.muli %iota3A, %mul3A_508 : vector<16xi32>
    %add3A_510 = vector.broadcast %mul3A_506 : i32 to vector<16xi32>
    %add3A_511 = arith.addi %add3A_510, %mul3A_509 : vector<16xi32>
    %add3A_512 = arith.addi %add3A_511, %get3A_502 : vector<16xi32>
    %shift_right_arithmetic3A_513 = arith.constant 7 : i32
    %shift_right_arithmetic3A_514 = vector.broadcast %shift_right_arithmetic3A_513 : i32 to vector<16xi32>
    %shift_right_arithmetic3A_515 = arith.shrsi %add3A_512, %shift_right_arithmetic3A_514 : vector<16xi32>
    %swap3A_516 = arith.constant 400 : index
    %swap3A_517 = tpu.vector_load %arg6[%swap3A_516] {strides = array<i32>} : memref<512xi32, #tpu.memory_space<vmem>>, vector<16xi32>,
    %swap3A_518 = vector.shape_cast %swap3A_517 : vector<16xi32> to vector<16xi32>
    %swap3A_519 = vector.shape_cast %shift_right_arithmetic3A_515 : vector<16xi32> to vector<16xi32>
    tpu.vector_store %arg6[%swap3A_516], %swap3A_519 {strides = array<i32>} : memref<512xi32, #tpu.memory_space<vmem>>, vector<16xi32>,
    %get3A_520 = arith.constant 416 : index
    %get3A_521 = tpu.vector_load %arg5[%get3A_520] {strides = array<i32>} : memref<512xi32, #tpu.memory_space<vmem>>, vector<16xi32>,
    %get3A_522 = vector.shape_cast %get3A_521 : vector<16xi32> to vector<16xi32>
    %add3A_523 = arith.constant 416 : i32
    %add3A_524 = arith.addi %mul3A_2, %add3A_523 : i32
    %mul3A_525 = arith.constant 1000 : i32
    %mul3A_526 = arith.muli %add3A_524, %mul3A_525 : i32
    %mul3A_527 = arith.constant 1000 : i32
    %mul3A_528 = vector.broadcast %mul3A_527 : i32 to vector<16xi32>
    %mul3A_529 = arith.muli %iota3A, %mul3A_528 : vector<16xi32>
    %add3A_530 = vector.broadcast %mul3A_526 : i32 to vector<16xi32>
    %add3A_531 = arith.addi %add3A_530, %mul3A_529 : vector<16xi32>
    %add3A_532 = arith.addi %add3A_531, %get3A_522 : vector<16xi32>
    %shift_right_arithmetic3A_533 = arith.constant 7 : i32
    %shift_right_arithmetic3A_534 = vector.broadcast %shift_right_arithmetic3A_533 : i32 to vector<16xi32>
    %shift_right_arithmetic3A_535 = arith.shrsi %add3A_532, %shift_right_arithmetic3A_534 : vector<16xi32>
    %swap3A_536 = arith.constant 416 : index
    %swap3A_537 = tpu.vector_load %arg6[%swap3A_536] {strides = array<i32>} : memref<512xi32, #tpu.memory_space<vmem>>, vector<16xi32>,
    %swap3A_538 = vector.shape_cast %swap3A_537 : vector<16xi32> to vector<16xi32>
    %swap3A_539 = vector.shape_cast %shift_right_arithmetic3A_535 : vector<16xi32> to vector<16xi32>
    tpu.vector_store %arg6[%swap3A_536], %swap3A_539 {strides = array<i32>} : memref<512xi32, #tpu.memory_space<vmem>>, vector<16xi32>,
    %get3A_540 = arith.constant 432 : index
    %get3A_541 = tpu.vector_load %arg5[%get3A_540] {strides = array<i32>} : memref<512xi32, #tpu.memory_space<vmem>>, vector<16xi32>,
    %get3A_542 = vector.shape_cast %get3A_541 : vector<16xi32> to vector<16xi32>
    %add3A_543 = arith.constant 432 : i32
    %add3A_544 = arith.addi %mul3A_2, %add3A_543 : i32
    %mul3A_545 = arith.constant 1000 : i32
    %mul3A_546 = arith.muli %add3A_544, %mul3A_545 : i32
    %mul3A_547 = arith.constant 1000 : i32
    %mul3A_548 = vector.broadcast %mul3A_547 : i32 to vector<16xi32>
    %mul3A_549 = arith.muli %iota3A, %mul3A_548 : vector<16xi32>
    %add3A_550 = vector.broadcast %mul3A_546 : i32 to vector<16xi32>
    %add3A_551 = arith.addi %add3A_550, %mul3A_549 : vector<16xi32>
    %add3A_552 = arith.addi %add3A_551, %get3A_542 : vector<16xi32>
    %shift_right_arithmetic3A_553 = arith.constant 7 : i32
    %shift_right_arithmetic3A_554 = vector.broadcast %shift_right_arithmetic3A_553 : i32 to vector<16xi32>
    %shift_right_arithmetic3A_555 = arith.shrsi %add3A_552, %shift_right_arithmetic3A_554 : vector<16xi32>
    %swap3A_556 = arith.constant 432 : index
    %swap3A_557 = tpu.vector_load %arg6[%swap3A_556] {strides = array<i32>} : memref<512xi32, #tpu.memory_space<vmem>>, vector<16xi32>,
    %swap3A_558 = vector.shape_cast %swap3A_557 : vector<16xi32> to vector<16xi32>
    %swap3A_559 = vector.shape_cast %shift_right_arithmetic3A_555 : vector<16xi32> to vector<16xi32>
    tpu.vector_store %arg6[%swap3A_556], %swap3A_559 {strides = array<i32>} : memref<512xi32, #tpu.memory_space<vmem>>, vector<16xi32>,
    %get3A_560 = arith.constant 448 : index
    %get3A_561 = tpu.vector_load %arg5[%get3A_560] {strides = array<i32>} : memref<512xi32, #tpu.memory_space<vmem>>, vector<16xi32>,
    %get3A_562 = vector.shape_cast %get3A_561 : vector<16xi32> to vector<16xi32>
    %add3A_563 = arith.constant 448 : i32
    %add3A_564 = arith.addi %mul3A_2, %add3A_563 : i32
    %mul3A_565 = arith.constant 1000 : i32
    %mul3A_566 = arith.muli %add3A_564, %mul3A_565 : i32
    %mul3A_567 = arith.constant 1000 : i32
    %mul3A_568 = vector.broadcast %mul3A_567 : i32 to vector<16xi32>
    %mul3A_569 = arith.muli %iota3A, %mul3A_568 : vector<16xi32>
    %add3A_570 = vector.broadcast %mul3A_566 : i32 to vector<16xi32>
    %add3A_571 = arith.addi %add3A_570, %mul3A_569 : vector<16xi32>
    %add3A_572 = arith.addi %add3A_571, %get3A_562 : vector<16xi32>
    %shift_right_arithmetic3A_573 = arith.constant 7 : i32
    %shift_right_arithmetic3A_574 = vector.broadcast %shift_right_arithmetic3A_573 : i32 to vector<16xi32>
    %shift_right_arithmetic3A_575 = arith.shrsi %add3A_572, %shift_right_arithmetic3A_574 : vector<16xi32>
    %swap3A_576 = arith.constant 448 : index
    %swap3A_577 = tpu.vector_load %arg6[%swap3A_576] {strides = array<i32>} : memref<512xi32, #tpu.memory_space<vmem>>, vector<16xi32>,
    %swap3A_578 = vector.shape_cast %swap3A_577 : vector<16xi32> to vector<16xi32>
    %swap3A_579 = vector.shape_cast %shift_right_arithmetic3A_575 : vector<16xi32> to vector<16xi32>
    tpu.vector_store %arg6[%swap3A_576], %swap3A_579 {strides = array<i32>} : memref<512xi32, #tpu.memory_space<vmem>>, vector<16xi32>,
    %get3A_580 = arith.constant 464 : index
    %get3A_581 = tpu.vector_load %arg5[%get3A_580] {strides = array<i32>} : memref<512xi32, #tpu.memory_space<vmem>>, vector<16xi32>,
    %get3A_582 = vector.shape_cast %get3A_581 : vector<16xi32> to vector<16xi32>
    %add3A_583 = arith.constant 464 : i32
    %add3A_584 = arith.addi %mul3A_2, %add3A_583 : i32
    %mul3A_585 = arith.constant 1000 : i32
    %mul3A_586 = arith.muli %add3A_584, %mul3A_585 : i32
    %mul3A_587 = arith.constant 1000 : i32
    %mul3A_588 = vector.broadcast %mul3A_587 : i32 to vector<16xi32>
    %mul3A_589 = arith.muli %iota3A, %mul3A_588 : vector<16xi32>
    %add3A_590 = vector.broadcast %mul3A_586 : i32 to vector<16xi32>
    %add3A_591 = arith.addi %add3A_590, %mul3A_589 : vector<16xi32>
    %add3A_592 = arith.addi %add3A_591, %get3A_582 : vector<16xi32>
    %shift_right_arithmetic3A_593 = arith.constant 7 : i32
    %shift_right_arithmetic3A_594 = vector.broadcast %shift_right_arithmetic3A_593 : i32 to vector<16xi32>
    %shift_right_arithmetic3A_595 = arith.shrsi %add3A_592, %shift_right_arithmetic3A_594 : vector<16xi32>
    %swap3A_596 = arith.constant 464 : index
    %swap3A_597 = tpu.vector_load %arg6[%swap3A_596] {strides = array<i32>} : memref<512xi32, #tpu.memory_space<vmem>>, vector<16xi32>,
    %swap3A_598 = vector.shape_cast %swap3A_597 : vector<16xi32> to vector<16xi32>
    %swap3A_599 = vector.shape_cast %shift_right_arithmetic3A_595 : vector<16xi32> to vector<16xi32>
    tpu.vector_store %arg6[%swap3A_596], %swap3A_599 {strides = array<i32>} : memref<512xi32, #tpu.memory_space<vmem>>, vector<16xi32>,
    %get3A_600 = arith.constant 480 : index
    %get3A_601 = tpu.vector_load %arg5[%get3A_600] {strides = array<i32>} : memref<512xi32, #tpu.memory_space<vmem>>, vector<16xi32>,
    %get3A_602 = vector.shape_cast %get3A_601 : vector<16xi32> to vector<16xi32>
    %add3A_603 = arith.constant 480 : i32
    %add3A_604 = arith.addi %mul3A_2, %add3A_603 : i32
    %mul3A_605 = arith.constant 1000 : i32
    %mul3A_606 = arith.muli %add3A_604, %mul3A_605 : i32
    %mul3A_607 = arith.constant 1000 : i32
    %mul3A_608 = vector.broadcast %mul3A_607 : i32 to vector<16xi32>
    %mul3A_609 = arith.muli %iota3A, %mul3A_608 : vector<16xi32>
    %add3A_610 = vector.broadcast %mul3A_606 : i32 to vector<16xi32>
    %add3A_611 = arith.addi %add3A_610, %mul3A_609 : vector<16xi32>
    %add3A_612 = arith.addi %add3A_611, %get3A_602 : vector<16xi32>
    %shift_right_arithmetic3A_613 = arith.constant 7 : i32
    %shift_right_arithmetic3A_614 = vector.broadcast %shift_right_arithmetic3A_613 : i32 to vector<16xi32>
    %shift_right_arithmetic3A_615 = arith.shrsi %add3A_612, %shift_right_arithmetic3A_614 : vector<16xi32>
    %swap3A_616 = arith.constant 480 : index
    %swap3A_617 = tpu.vector_load %arg6[%swap3A_616] {strides = array<i32>} : memref<512xi32, #tpu.memory_space<vmem>>, vector<16xi32>,
    %swap3A_618 = vector.shape_cast %swap3A_617 : vector<16xi32> to vector<16xi32>
    %swap3A_619 = vector.shape_cast %shift_right_arithmetic3A_615 : vector<16xi32> to vector<16xi32>
    tpu.vector_store %arg6[%swap3A_616], %swap3A_619 {strides = array<i32>} : memref<512xi32, #tpu.memory_space<vmem>>, vector<16xi32>,
    %get3A_620 = arith.constant 496 : index
    %get3A_621 = tpu.vector_load %arg5[%get3A_620] {strides = array<i32>} : memref<512xi32, #tpu.memory_space<vmem>>, vector<16xi32>,
    %get3A_622 = vector.shape_cast %get3A_621 : vector<16xi32> to vector<16xi32>
    %add3A_623 = arith.constant 496 : i32
    %add3A_624 = arith.addi %mul3A_2, %add3A_623 : i32
    %mul3A_625 = arith.constant 1000 : i32
    %mul3A_626 = arith.muli %add3A_624, %mul3A_625 : i32
    %mul3A_627 = arith.constant 1000 : i32
    %mul3A_628 = vector.broadcast %mul3A_627 : i32 to vector<16xi32>
    %mul3A_629 = arith.muli %iota3A, %mul3A_628 : vector<16xi32>
    %add3A_630 = vector.broadcast %mul3A_626 : i32 to vector<16xi32>
    %add3A_631 = arith.addi %add3A_630, %mul3A_629 : vector<16xi32>
    %add3A_632 = arith.addi %add3A_631, %get3A_622 : vector<16xi32>
    %shift_right_arithmetic3A_633 = arith.constant 7 : i32
    %shift_right_arithmetic3A_634 = vector.broadcast %shift_right_arithmetic3A_633 : i32 to vector<16xi32>
    %shift_right_arithmetic3A_635 = arith.shrsi %add3A_632, %shift_right_arithmetic3A_634 : vector<16xi32>
    %swap3A_636 = arith.constant 496 : index
    %swap3A_637 = tpu.vector_load %arg6[%swap3A_636] {strides = array<i32>} : memref<512xi32, #tpu.memory_space<vmem>>, vector<16xi32>,
    %swap3A_638 = vector.shape_cast %swap3A_637 : vector<16xi32> to vector<16xi32>
    %swap3A_639 = vector.shape_cast %shift_right_arithmetic3A_635 : vector<16xi32> to vector<16xi32>
    tpu.vector_store %arg6[%swap3A_636], %swap3A_639 {strides = array<i32>} : memref<512xi32, #tpu.memory_space<vmem>>, vector<16xi32>,
    %dma_start3A = arith.constant 0 : i32
    %dma_start3A_640 = arith.constant 0 : i32
    %dma_start3A_641 = tpu.memref_slice %arg2[%dma_start3A, %dma_start3A_640] : memref<128000x128xf32, #tpu.memory_space<hbm>> -> memref<128000x128xf32, #tpu.memory_space<hbm>>
    tpu.enqueue_indirect_dma source(%dma_start3A_641 : memref<128000x128xf32, #tpu.memory_space<hbm>>) target(%arg7 : memref<512x128xf32, #tpu.memory_space<vmem>>) offsets(%arg6 : memref<512xi32, #tpu.memory_space<vmem>>) semaphore(%arg8 : memref<!tpu.dma_semaphore, #tpu.memory_space<semaphore_mem>>)
    %dma_wait3A = arith.constant 0 : i32
    %dma_wait3A_642 = arith.constant 0 : i32
    %dma_wait3A_643 = tpu.memref_slice %arg2[%dma_wait3A, %dma_wait3A_642] : memref<128000x128xf32, #tpu.memory_space<hbm>> -> memref<128000x128xf32, #tpu.memory_space<hbm>>
    tpu.wait_indirect_dma semaphore(%arg8 : memref<!tpu.dma_semaphore, #tpu.memory_space<semaphore_mem>>) src(%dma_wait3A_643 : memref<128000x128xf32, #tpu.memory_space<hbm>>) dst(%arg7 : memref<512x128xf32, #tpu.memory_space<vmem>>)
    "tpu.region"() ({
      %run_scoped3A = tpu.sem_alloc : memref<!tpu.dma_semaphore, #tpu.memory_space<semaphore_mem>>
      %dma_start3A_644 = arith.constant 0 : i32
      %dma_start3A_645 = tpu.memref_slice %arg4[%mul3A_2, %dma_start3A_644] : memref<16384x128xf32, #tpu.memory_space<hbm>> -> memref<512x128xf32, #tpu.memory_space<hbm>>
      %dma_start3A_646 = arith.constant 0 : i32
      %dma_start3A_647 = tpu.memref_slice %arg4[%mul3A_2, %dma_start3A_646] : memref<16384x128xf32, #tpu.memory_space<hbm>> -> memref<512x128xf32, #tpu.memory_space<hbm>>
      tpu.enqueue_dma source(%arg7 : memref<512x128xf32, #tpu.memory_space<vmem>>) target(%dma_start3A_647 : memref<512x128xf32, #tpu.memory_space<hbm>>) target_semaphore(%run_scoped3A : memref<!tpu.dma_semaphore, #tpu.memory_space<semaphore_mem>>)
      %dma_wait3A_648 = arith.constant 0 : i32
      %dma_wait3A_649 = tpu.memref_slice %arg4[%mul3A_2, %dma_wait3A_648] : memref<16384x128xf32, #tpu.memory_space<hbm>> -> memref<512x128xf32, #tpu.memory_space<hbm>>
      %dma_wait3A_650 = arith.constant 0 : i32
      %dma_wait3A_651 = tpu.memref_slice %arg4[%mul3A_2, %dma_wait3A_650] : memref<16384x128xf32, #tpu.memory_space<hbm>> -> memref<512x128xf32, #tpu.memory_space<hbm>>
      tpu.wait_dma2 semaphore(%run_scoped3A : memref<!tpu.dma_semaphore, #tpu.memory_space<semaphore_mem>>) src(%arg7 : memref<512x128xf32, #tpu.memory_space<vmem>>) dst(%dma_wait3A_651 : memref<512x128xf32, #tpu.memory_space<hbm>>)
      tpu.yield
    }) : () -> ()
    return
  }
}

module attributes {stable_mosaic.version = 14 : i64} {
  func.func @_dense_kernel(%arg0: i32, %arg1: memref<1024x1000xf32, #tpu.memory_space<vmem>>, %arg2: memref<1x1xf32, #tpu.memory_space<vmem>>) attributes {dimension_semantics = [#tpu.dimension_semantics<arbitrary>], iteration_bounds = array<i64: 16>, scalar_prefetch = 0 : i64, scratch_operands = 0 : i64, tpu.core_type = #tpu.core_type<tc>, window_params = [{transform_indices = @transform_0, window_bounds = array<i64: 1024, 1000>}, {pipeline_mode = #tpu.pipeline_mode<synchronous>, transform_indices = @transform_1, window_bounds = array<i64: 1, 1>}]} {
    %get3A = arith.constant 0 : index
    %get3A_0 = arith.constant 0 : index
    %get3A_1 = vector.load %arg1[%get3A, %get3A_0] : memref<1024x1000xf32, #tpu.memory_space<vmem>>, vector<1024x1000xf32>
    %iota3A = tpu.iota {dimensions = array<i32: 1>} : vector<1024x1000xi32>
    %lt3A = arith.constant 1000 : i32
    %lt3A_2 = vector.broadcast %lt3A : i32 to vector<1024x1000xi32>
    %lt3A_3 = arith.cmpi slt, %iota3A, %lt3A_2 : vector<1024x1000xi32>
    %jit3A = arith.constant 0.000000e+00 : f32
    %broadcast_in_dim3A = vector.broadcast %jit3A : f32 to vector<1024x1000xf32>
    %select_n3A = arith.select %lt3A_3, %get3A_1, %broadcast_in_dim3A : vector<1024x1000xi1>, vector<1024x1000xf32>
    %jit3A_4 = arith.constant -1.000000e+30 : f32
    %broadcast_in_dim3A_5 = vector.broadcast %jit3A_4 : f32 to vector<1024x1000xf32>
    %select_n3A_6 = arith.select %lt3A_3, %select_n3A, %broadcast_in_dim3A_5 : vector<1024x1000xi1>, vector<1024x1000xf32>
    %reduce_max3A = arith.constant dense<0xFF800000> : vector<1024xf32>
    %reduce_max3A_7 = vector.multi_reduction <maximumf>, %select_n3A_6, %reduce_max3A [1] : vector<1024x1000xf32> to vector<1024xf32>
    %broadcast_in_dim3A_8 = vector.shape_cast %reduce_max3A_7 : vector<1024xf32> to vector<1024x1xf32>
    %sub3A = vector.broadcast %broadcast_in_dim3A_8 : vector<1024x1xf32> to vector<1024x1000xf32>
    %sub3A_9 = arith.subf %select_n3A, %sub3A : vector<1024x1000xf32>
    %mul3A = arith.constant 5.000000e-01 : f32
    %mul3A_10 = vector.broadcast %mul3A : f32 to vector<1024x1000xf32>
    %mul3A_11 = arith.mulf %sub3A_9, %mul3A_10 : vector<1024x1000xf32>
    %jit3A_12 = arith.constant -1.000000e+30 : f32
    %broadcast_in_dim3A_13 = vector.broadcast %jit3A_12 : f32 to vector<1024x1000xf32>
    %select_n3A_14 = arith.select %lt3A_3, %mul3A_11, %broadcast_in_dim3A_13 : vector<1024x1000xi1>, vector<1024x1000xf32>
    %broadcast_in_dim3A_15 = arith.constant -1.000000e+00 : f32
    %broadcast_in_dim3A_16 = vector.broadcast %broadcast_in_dim3A_15 : f32 to vector<1024x1xf32>
    %sub3A_17 = vector.broadcast %broadcast_in_dim3A_16 : vector<1024x1xf32> to vector<1024x1000xf32>
    %sub3A_18 = arith.subf %select_n3A_14, %sub3A_17 : vector<1024x1000xf32>
    %max3A = arith.constant 0.000000e+00 : f32
    %max3A_19 = vector.broadcast %max3A : f32 to vector<1024x1000xf32>
    %max3A_20 = arith.maximumf %sub3A_18, %max3A_19 : vector<1024x1000xf32>
    %reduce_sum3A = arith.constant dense<0.000000e+00> : vector<1024xf32>
    %reduce_sum3A_21 = vector.multi_reduction <add>, %max3A_20, %reduce_sum3A [1] : vector<1024x1000xf32> to vector<1024xf32>
    %broadcast_in_dim3A_22 = vector.shape_cast %reduce_sum3A_21 : vector<1024xf32> to vector<1024x1xf32>
    %mul3A_23 = arith.mulf %max3A_20, %max3A_20 : vector<1024x1000xf32>
    %reduce_sum3A_24 = arith.constant dense<0.000000e+00> : vector<1024xf32>
    %reduce_sum3A_25 = vector.multi_reduction <add>, %mul3A_23, %reduce_sum3A_24 [1] : vector<1024x1000xf32> to vector<1024xf32>
    %broadcast_in_dim3A_26 = vector.shape_cast %reduce_sum3A_25 : vector<1024xf32> to vector<1024x1xf32>
    %gt3A = vector.broadcast %broadcast_in_dim3A_16 : vector<1024x1xf32> to vector<1024x1000xf32>
    %gt3A_27 = arith.cmpf ogt, %select_n3A_14, %gt3A : vector<1024x1000xf32>
    %convert_element_type3A = arith.extui %gt3A_27 : vector<1024x1000xi1> to vector<1024x1000xi32>
    %convert_element_type3A_28 = arith.sitofp %convert_element_type3A : vector<1024x1000xi32> to vector<1024x1000xf32>
    %reduce_sum3A_29 = arith.constant dense<0.000000e+00> : vector<1024xf32>
    %reduce_sum3A_30 = vector.multi_reduction <add>, %convert_element_type3A_28, %reduce_sum3A_29 [1] : vector<1024x1000xf32> to vector<1024xf32>
    %broadcast_in_dim3A_31 = vector.shape_cast %reduce_sum3A_30 : vector<1024xf32> to vector<1024x1xf32>
    %mul3A_32 = arith.mulf %broadcast_in_dim3A_22, %broadcast_in_dim3A_22 : vector<1024x1xf32>
    %div3A = arith.divf %mul3A_32, %broadcast_in_dim3A_31 : vector<1024x1xf32>
    %sub3A_33 = arith.subf %broadcast_in_dim3A_26, %div3A : vector<1024x1xf32>
    %sub3A_34 = arith.constant 1.000000e+00 : f32
    %sub3A_35 = vector.broadcast %sub3A_34 : f32 to vector<1024x1xf32>
    %sub3A_36 = arith.subf %sub3A_35, %sub3A_33 : vector<1024x1xf32>
    %div3A_37 = arith.divf %sub3A_36, %broadcast_in_dim3A_31 : vector<1024x1xf32>
    %max3A_38 = arith.constant 0.000000e+00 : f32
    %max3A_39 = vector.broadcast %max3A_38 : f32 to vector<1024x1xf32>
    %max3A_40 = arith.maximumf %div3A_37, %max3A_39 : vector<1024x1xf32>
    %div3A_41 = arith.divf %broadcast_in_dim3A_22, %broadcast_in_dim3A_31 : vector<1024x1xf32>
    %add3A = arith.addf %broadcast_in_dim3A_16, %div3A_41 : vector<1024x1xf32>
    %sqrt3A = math.sqrt %max3A_40 : vector<1024x1xf32>
    %sub3A_42 = arith.subf %add3A, %sqrt3A : vector<1024x1xf32>
    %sub3A_43 = vector.broadcast %sub3A_42 : vector<1024x1xf32> to vector<1024x1000xf32>
    %sub3A_44 = arith.subf %select_n3A_14, %sub3A_43 : vector<1024x1000xf32>
    %max3A_45 = arith.constant 0.000000e+00 : f32
    %max3A_46 = vector.broadcast %max3A_45 : f32 to vector<1024x1000xf32>
    %max3A_47 = arith.maximumf %sub3A_44, %max3A_46 : vector<1024x1000xf32>
    %reduce_sum3A_48 = arith.constant dense<0.000000e+00> : vector<1024xf32>
    %reduce_sum3A_49 = vector.multi_reduction <add>, %max3A_47, %reduce_sum3A_48 [1] : vector<1024x1000xf32> to vector<1024xf32>
    %broadcast_in_dim3A_50 = vector.shape_cast %reduce_sum3A_49 : vector<1024xf32> to vector<1024x1xf32>
    %mul3A_51 = arith.mulf %max3A_47, %max3A_47 : vector<1024x1000xf32>
    %reduce_sum3A_52 = arith.constant dense<0.000000e+00> : vector<1024xf32>
    %reduce_sum3A_53 = vector.multi_reduction <add>, %mul3A_51, %reduce_sum3A_52 [1] : vector<1024x1000xf32> to vector<1024xf32>
    %broadcast_in_dim3A_54 = vector.shape_cast %reduce_sum3A_53 : vector<1024xf32> to vector<1024x1xf32>
    %gt3A_55 = vector.broadcast %sub3A_42 : vector<1024x1xf32> to vector<1024x1000xf32>
    %gt3A_56 = arith.cmpf ogt, %select_n3A_14, %gt3A_55 : vector<1024x1000xf32>
    %convert_element_type3A_57 = arith.extui %gt3A_56 : vector<1024x1000xi1> to vector<1024x1000xi32>
    %convert_element_type3A_58 = arith.sitofp %convert_element_type3A_57 : vector<1024x1000xi32> to vector<1024x1000xf32>
    %reduce_sum3A_59 = arith.constant dense<0.000000e+00> : vector<1024xf32>
    %reduce_sum3A_60 = vector.multi_reduction <add>, %convert_element_type3A_58, %reduce_sum3A_59 [1] : vector<1024x1000xf32> to vector<1024xf32>
    %broadcast_in_dim3A_61 = vector.shape_cast %reduce_sum3A_60 : vector<1024xf32> to vector<1024x1xf32>
    %mul3A_62 = arith.mulf %broadcast_in_dim3A_50, %broadcast_in_dim3A_50 : vector<1024x1xf32>
    %div3A_63 = arith.divf %mul3A_62, %broadcast_in_dim3A_61 : vector<1024x1xf32>
    %sub3A_64 = arith.subf %broadcast_in_dim3A_54, %div3A_63 : vector<1024x1xf32>
    %sub3A_65 = arith.constant 1.000000e+00 : f32
    %sub3A_66 = vector.broadcast %sub3A_65 : f32 to vector<1024x1xf32>
    %sub3A_67 = arith.subf %sub3A_66, %sub3A_64 : vector<1024x1xf32>
    %div3A_68 = arith.divf %sub3A_67, %broadcast_in_dim3A_61 : vector<1024x1xf32>
    %max3A_69 = arith.constant 0.000000e+00 : f32
    %max3A_70 = vector.broadcast %max3A_69 : f32 to vector<1024x1xf32>
    %max3A_71 = arith.maximumf %div3A_68, %max3A_70 : vector<1024x1xf32>
    %div3A_72 = arith.divf %broadcast_in_dim3A_50, %broadcast_in_dim3A_61 : vector<1024x1xf32>
    %add3A_73 = arith.addf %sub3A_42, %div3A_72 : vector<1024x1xf32>
    %sqrt3A_74 = math.sqrt %max3A_71 : vector<1024x1xf32>
    %sub3A_75 = arith.subf %add3A_73, %sqrt3A_74 : vector<1024x1xf32>
    %sub3A_76 = vector.broadcast %sub3A_75 : vector<1024x1xf32> to vector<1024x1000xf32>
    %sub3A_77 = arith.subf %select_n3A_14, %sub3A_76 : vector<1024x1000xf32>
    %max3A_78 = arith.constant 0.000000e+00 : f32
    %max3A_79 = vector.broadcast %max3A_78 : f32 to vector<1024x1000xf32>
    %max3A_80 = arith.maximumf %sub3A_77, %max3A_79 : vector<1024x1000xf32>
    %reduce_sum3A_81 = arith.constant dense<0.000000e+00> : vector<1024xf32>
    %reduce_sum3A_82 = vector.multi_reduction <add>, %max3A_80, %reduce_sum3A_81 [1] : vector<1024x1000xf32> to vector<1024xf32>
    %broadcast_in_dim3A_83 = vector.shape_cast %reduce_sum3A_82 : vector<1024xf32> to vector<1024x1xf32>
    %mul3A_84 = arith.mulf %max3A_80, %max3A_80 : vector<1024x1000xf32>
    %reduce_sum3A_85 = arith.constant dense<0.000000e+00> : vector<1024xf32>
    %reduce_sum3A_86 = vector.multi_reduction <add>, %mul3A_84, %reduce_sum3A_85 [1] : vector<1024x1000xf32> to vector<1024xf32>
    %broadcast_in_dim3A_87 = vector.shape_cast %reduce_sum3A_86 : vector<1024xf32> to vector<1024x1xf32>
    %gt3A_88 = vector.broadcast %sub3A_75 : vector<1024x1xf32> to vector<1024x1000xf32>
    %gt3A_89 = arith.cmpf ogt, %select_n3A_14, %gt3A_88 : vector<1024x1000xf32>
    %convert_element_type3A_90 = arith.extui %gt3A_89 : vector<1024x1000xi1> to vector<1024x1000xi32>
    %convert_element_type3A_91 = arith.sitofp %convert_element_type3A_90 : vector<1024x1000xi32> to vector<1024x1000xf32>
    %reduce_sum3A_92 = arith.constant dense<0.000000e+00> : vector<1024xf32>
    %reduce_sum3A_93 = vector.multi_reduction <add>, %convert_element_type3A_91, %reduce_sum3A_92 [1] : vector<1024x1000xf32> to vector<1024xf32>
    %broadcast_in_dim3A_94 = vector.shape_cast %reduce_sum3A_93 : vector<1024xf32> to vector<1024x1xf32>
    %mul3A_95 = arith.mulf %broadcast_in_dim3A_83, %broadcast_in_dim3A_83 : vector<1024x1xf32>
    %div3A_96 = arith.divf %mul3A_95, %broadcast_in_dim3A_94 : vector<1024x1xf32>
    %sub3A_97 = arith.subf %broadcast_in_dim3A_87, %div3A_96 : vector<1024x1xf32>
    %sub3A_98 = arith.constant 1.000000e+00 : f32
    %sub3A_99 = vector.broadcast %sub3A_98 : f32 to vector<1024x1xf32>
    %sub3A_100 = arith.subf %sub3A_99, %sub3A_97 : vector<1024x1xf32>
    %div3A_101 = arith.divf %sub3A_100, %broadcast_in_dim3A_94 : vector<1024x1xf32>
    %max3A_102 = arith.constant 0.000000e+00 : f32
    %max3A_103 = vector.broadcast %max3A_102 : f32 to vector<1024x1xf32>
    %max3A_104 = arith.maximumf %div3A_101, %max3A_103 : vector<1024x1xf32>
    %div3A_105 = arith.divf %broadcast_in_dim3A_83, %broadcast_in_dim3A_94 : vector<1024x1xf32>
    %add3A_106 = arith.addf %sub3A_75, %div3A_105 : vector<1024x1xf32>
    %sqrt3A_107 = math.sqrt %max3A_104 : vector<1024x1xf32>
    %sub3A_108 = arith.subf %add3A_106, %sqrt3A_107 : vector<1024x1xf32>
    %sub3A_109 = vector.broadcast %sub3A_108 : vector<1024x1xf32> to vector<1024x1000xf32>
    %sub3A_110 = arith.subf %select_n3A_14, %sub3A_109 : vector<1024x1000xf32>
    %max3A_111 = arith.constant 0.000000e+00 : f32
    %max3A_112 = vector.broadcast %max3A_111 : f32 to vector<1024x1000xf32>
    %max3A_113 = arith.maximumf %sub3A_110, %max3A_112 : vector<1024x1000xf32>
    %reduce_sum3A_114 = arith.constant dense<0.000000e+00> : vector<1024xf32>
    %reduce_sum3A_115 = vector.multi_reduction <add>, %max3A_113, %reduce_sum3A_114 [1] : vector<1024x1000xf32> to vector<1024xf32>
    %broadcast_in_dim3A_116 = vector.shape_cast %reduce_sum3A_115 : vector<1024xf32> to vector<1024x1xf32>
    %mul3A_117 = arith.mulf %max3A_113, %max3A_113 : vector<1024x1000xf32>
    %reduce_sum3A_118 = arith.constant dense<0.000000e+00> : vector<1024xf32>
    %reduce_sum3A_119 = vector.multi_reduction <add>, %mul3A_117, %reduce_sum3A_118 [1] : vector<1024x1000xf32> to vector<1024xf32>
    %broadcast_in_dim3A_120 = vector.shape_cast %reduce_sum3A_119 : vector<1024xf32> to vector<1024x1xf32>
    %gt3A_121 = vector.broadcast %sub3A_108 : vector<1024x1xf32> to vector<1024x1000xf32>
    %gt3A_122 = arith.cmpf ogt, %select_n3A_14, %gt3A_121 : vector<1024x1000xf32>
    %convert_element_type3A_123 = arith.extui %gt3A_122 : vector<1024x1000xi1> to vector<1024x1000xi32>
    %convert_element_type3A_124 = arith.sitofp %convert_element_type3A_123 : vector<1024x1000xi32> to vector<1024x1000xf32>
    %reduce_sum3A_125 = arith.constant dense<0.000000e+00> : vector<1024xf32>
    %reduce_sum3A_126 = vector.multi_reduction <add>, %convert_element_type3A_124, %reduce_sum3A_125 [1] : vector<1024x1000xf32> to vector<1024xf32>
    %broadcast_in_dim3A_127 = vector.shape_cast %reduce_sum3A_126 : vector<1024xf32> to vector<1024x1xf32>
    %mul3A_128 = arith.mulf %broadcast_in_dim3A_116, %broadcast_in_dim3A_116 : vector<1024x1xf32>
    %div3A_129 = arith.divf %mul3A_128, %broadcast_in_dim3A_127 : vector<1024x1xf32>
    %sub3A_130 = arith.subf %broadcast_in_dim3A_120, %div3A_129 : vector<1024x1xf32>
    %sub3A_131 = arith.constant 1.000000e+00 : f32
    %sub3A_132 = vector.broadcast %sub3A_131 : f32 to vector<1024x1xf32>
    %sub3A_133 = arith.subf %sub3A_132, %sub3A_130 : vector<1024x1xf32>
    %div3A_134 = arith.divf %sub3A_133, %broadcast_in_dim3A_127 : vector<1024x1xf32>
    %max3A_135 = arith.constant 0.000000e+00 : f32
    %max3A_136 = vector.broadcast %max3A_135 : f32 to vector<1024x1xf32>
    %max3A_137 = arith.maximumf %div3A_134, %max3A_136 : vector<1024x1xf32>
    %div3A_138 = arith.divf %broadcast_in_dim3A_116, %broadcast_in_dim3A_127 : vector<1024x1xf32>
    %add3A_139 = arith.addf %sub3A_108, %div3A_138 : vector<1024x1xf32>
    %sqrt3A_140 = math.sqrt %max3A_137 : vector<1024x1xf32>
    %sub3A_141 = arith.subf %add3A_139, %sqrt3A_140 : vector<1024x1xf32>
    %sub3A_142 = vector.broadcast %sub3A_141 : vector<1024x1xf32> to vector<1024x1000xf32>
    %sub3A_143 = arith.subf %select_n3A_14, %sub3A_142 : vector<1024x1000xf32>
    %max3A_144 = arith.constant 0.000000e+00 : f32
    %max3A_145 = vector.broadcast %max3A_144 : f32 to vector<1024x1000xf32>
    %max3A_146 = arith.maximumf %sub3A_143, %max3A_145 : vector<1024x1000xf32>
    %reduce_sum3A_147 = arith.constant dense<0.000000e+00> : vector<1024xf32>
    %reduce_sum3A_148 = vector.multi_reduction <add>, %max3A_146, %reduce_sum3A_147 [1] : vector<1024x1000xf32> to vector<1024xf32>
    %broadcast_in_dim3A_149 = vector.shape_cast %reduce_sum3A_148 : vector<1024xf32> to vector<1024x1xf32>
    %mul3A_150 = arith.mulf %max3A_146, %max3A_146 : vector<1024x1000xf32>
    %reduce_sum3A_151 = arith.constant dense<0.000000e+00> : vector<1024xf32>
    %reduce_sum3A_152 = vector.multi_reduction <add>, %mul3A_150, %reduce_sum3A_151 [1] : vector<1024x1000xf32> to vector<1024xf32>
    %broadcast_in_dim3A_153 = vector.shape_cast %reduce_sum3A_152 : vector<1024xf32> to vector<1024x1xf32>
    %gt3A_154 = vector.broadcast %sub3A_141 : vector<1024x1xf32> to vector<1024x1000xf32>
    %gt3A_155 = arith.cmpf ogt, %select_n3A_14, %gt3A_154 : vector<1024x1000xf32>
    %convert_element_type3A_156 = arith.extui %gt3A_155 : vector<1024x1000xi1> to vector<1024x1000xi32>
    %convert_element_type3A_157 = arith.sitofp %convert_element_type3A_156 : vector<1024x1000xi32> to vector<1024x1000xf32>
    %reduce_sum3A_158 = arith.constant dense<0.000000e+00> : vector<1024xf32>
    %reduce_sum3A_159 = vector.multi_reduction <add>, %convert_element_type3A_157, %reduce_sum3A_158 [1] : vector<1024x1000xf32> to vector<1024xf32>
    %broadcast_in_dim3A_160 = vector.shape_cast %reduce_sum3A_159 : vector<1024xf32> to vector<1024x1xf32>
    %mul3A_161 = arith.mulf %broadcast_in_dim3A_149, %broadcast_in_dim3A_149 : vector<1024x1xf32>
    %div3A_162 = arith.divf %mul3A_161, %broadcast_in_dim3A_160 : vector<1024x1xf32>
    %sub3A_163 = arith.subf %broadcast_in_dim3A_153, %div3A_162 : vector<1024x1xf32>
    %sub3A_164 = arith.constant 1.000000e+00 : f32
    %sub3A_165 = vector.broadcast %sub3A_164 : f32 to vector<1024x1xf32>
    %sub3A_166 = arith.subf %sub3A_165, %sub3A_163 : vector<1024x1xf32>
    %div3A_167 = arith.divf %sub3A_166, %broadcast_in_dim3A_160 : vector<1024x1xf32>
    %max3A_168 = arith.constant 0.000000e+00 : f32
    %max3A_169 = vector.broadcast %max3A_168 : f32 to vector<1024x1xf32>
    %max3A_170 = arith.maximumf %div3A_167, %max3A_169 : vector<1024x1xf32>
    %div3A_171 = arith.divf %broadcast_in_dim3A_149, %broadcast_in_dim3A_160 : vector<1024x1xf32>
    %add3A_172 = arith.addf %sub3A_141, %div3A_171 : vector<1024x1xf32>
    %sqrt3A_173 = math.sqrt %max3A_170 : vector<1024x1xf32>
    %sub3A_174 = arith.subf %add3A_172, %sqrt3A_173 : vector<1024x1xf32>
    %sub3A_175 = vector.broadcast %sub3A_174 : vector<1024x1xf32> to vector<1024x1000xf32>
    %sub3A_176 = arith.subf %select_n3A_14, %sub3A_175 : vector<1024x1000xf32>
    %max3A_177 = arith.constant 0.000000e+00 : f32
    %max3A_178 = vector.broadcast %max3A_177 : f32 to vector<1024x1000xf32>
    %max3A_179 = arith.maximumf %sub3A_176, %max3A_178 : vector<1024x1000xf32>
    %mul3A_180 = arith.mulf %max3A_179, %max3A_179 : vector<1024x1000xf32>
    %mul3A_181 = arith.mulf %mul3A_180, %max3A_179 : vector<1024x1000xf32>
    %reduce_sum3A_182 = arith.constant dense<0.000000e+00> : vector<1024xf32>
    %reduce_sum3A_183 = vector.multi_reduction <add>, %mul3A_181, %reduce_sum3A_182 [1] : vector<1024x1000xf32> to vector<1024xf32>
    %sub3A_184 = arith.constant 1.000000e+00 : f32
    %sub3A_185 = vector.broadcast %sub3A_184 : f32 to vector<1024xf32>
    %sub3A_186 = arith.subf %sub3A_185, %reduce_sum3A_183 : vector<1024xf32>
    %div3A_187 = arith.constant 7.500000e-01 : f32
    %div3A_188 = vector.broadcast %div3A_187 : f32 to vector<1024xf32>
    %div3A_189 = arith.divf %sub3A_186, %div3A_188 : vector<1024xf32>
    %mul3A_190 = arith.mulf %max3A_179, %max3A_179 : vector<1024x1000xf32>
    %mul3A_191 = arith.mulf %mul3A_190, %select_n3A : vector<1024x1000xf32>
    %reduce_sum3A_192 = arith.constant dense<0.000000e+00> : vector<1024xf32>
    %reduce_sum3A_193 = vector.multi_reduction <add>, %mul3A_191, %reduce_sum3A_192 [1] : vector<1024x1000xf32> to vector<1024xf32>
    %add3A_194 = arith.addf %div3A_189, %reduce_sum3A_193 : vector<1024xf32>
    %reduce_sum3A_195 = vector.shape_cast %add3A_194 : vector<1024xf32> to vector<1x1024xf32>
    %reduce_sum3A_196 = arith.constant dense<0.000000e+00> : vector<1xf32>
    %reduce_sum3A_197 = vector.multi_reduction <add>, %reduce_sum3A_195, %reduce_sum3A_196 [1] : vector<1x1024xf32> to vector<1xf32>
    %reduce_sum3A_198 = vector.shape_cast %reduce_sum3A_197 : vector<1xf32> to vector<1x1xf32>
    %reduce_sum3A_199 = vector.extract %reduce_sum3A_198[0, 0] : f32 from vector<1x1xf32>
    %reshape3A = vector.broadcast %reduce_sum3A_199 : f32 to vector<1x1xf32>
    %eq3A = arith.constant 0 : i32
    %eq3A_200 = arith.cmpi eq, %arg0, %eq3A : i32
    %convert_element_type3A_201 = arith.extui %eq3A_200 : i1 to i32
    %cond3A = arith.constant 0 : i32
    %cond3A_202 = arith.cmpi ne, %convert_element_type3A_201, %cond3A : i32
    scf.if %cond3A_202 {
      %broadcast_in_dim3A_209 = arith.constant 0.000000e+00 : f32
      %broadcast_in_dim3A_210 = vector.broadcast %broadcast_in_dim3A_209 : f32 to vector<1x1xf32>
      %swap3A_211 = arith.constant 0 : index
      %swap3A_212 = arith.constant 0 : index
      %swap3A_213 = vector.load %arg2[%swap3A_211, %swap3A_212] : memref<1x1xf32, #tpu.memory_space<vmem>>, vector<1x1xf32>
      tpu.vector_store %arg2[%swap3A_211, %swap3A_212], %broadcast_in_dim3A_210 {strides = array<i32>} : memref<1x1xf32, #tpu.memory_space<vmem>>, vector<1x1xf32>,
    } else {
    }
    %get3A_203 = arith.constant 0 : index
    %get3A_204 = arith.constant 0 : index
    %get3A_205 = vector.load %arg2[%get3A_203, %get3A_204] : memref<1x1xf32, #tpu.memory_space<vmem>>, vector<1x1xf32>
    %add3A_206 = arith.addf %get3A_205, %reshape3A : vector<1x1xf32>
    %swap3A = arith.constant 0 : index
    %swap3A_207 = arith.constant 0 : index
    %swap3A_208 = vector.load %arg2[%swap3A, %swap3A_207] : memref<1x1xf32, #tpu.memory_space<vmem>>, vector<1x1xf32>
    tpu.vector_store %arg2[%swap3A, %swap3A_207], %add3A_206 {strides = array<i32>} : memref<1x1xf32, #tpu.memory_space<vmem>>, vector<1x1xf32>,
    return
  }
  func.func @transform_0(%arg0: i32) -> (i32, i32) {
    %c0_i32 = arith.constant 0 : i32
    %c0_i32_0 = arith.constant 0 : i32
    return %arg0, %c0_i32 : i32, i32
  }
  func.func @transform_1(%arg0: i32) -> (i32, i32) {
    %c0_i32 = arith.constant 0 : i32
    %c0_i32_0 = arith.constant 0 : i32
    %c0_i32_1 = arith.constant 0 : i32
    return %c0_i32, %c0_i32_0 : i32, i32
  }
}

module attributes {stable_mosaic.version = 14 : i64} {
  func.func @_select_kernel(%arg0: i32, %arg1: memref<2048x128xf32, #tpu.memory_space<vmem>>, %arg2: memref<1x1x2048xi32, #tpu.memory_space<vmem>>, %arg3: memref<1x1xf32, #tpu.memory_space<vmem>>) attributes {dimension_semantics = [#tpu.dimension_semantics<arbitrary>], iteration_bounds = array<i64: 8>, scalar_prefetch = 0 : i64, scratch_operands = 0 : i64, tpu.core_type = #tpu.core_type<tc>, window_params = [{transform_indices = @transform_0, window_bounds = array<i64: 2048, 128>}, {transform_indices = @transform_1, window_bounds = array<i64: 1, 1, 2048>}, {pipeline_mode = #tpu.pipeline_mode<synchronous>, transform_indices = @transform_2, window_bounds = array<i64: 1, 1>}]} {
    %get3A = arith.constant 0 : index
    %get3A_0 = arith.constant 0 : index
    %get3A_1 = arith.constant 0 : index
    %get3A_2 = vector.load %arg2[%get3A, %get3A_0, %get3A_1] : memref<1x1x2048xi32, #tpu.memory_space<vmem>>, vector<1x1x2048xi32>
    %get3A_3 = vector.shape_cast %get3A_2 : vector<1x1x2048xi32> to vector<2048xi32>
    %reshape3A = vector.shape_cast %get3A_3 : vector<2048xi32> to vector<2048x1xi32>
    %iota3A = tpu.iota {dimensions = array<i32: 0>} : vector<2048x1xi32>
    %mul3A = arith.constant 2048 : i32
    %mul3A_4 = arith.muli %arg0, %mul3A : i32
    %add3A = vector.broadcast %mul3A_4 : i32 to vector<2048x1xi32>
    %add3A_5 = arith.addi %iota3A, %add3A : vector<2048x1xi32>
    %mul3A_6 = arith.constant 1000 : i32
    %mul3A_7 = vector.broadcast %mul3A_6 : i32 to vector<2048x1xi32>
    %mul3A_8 = arith.muli %add3A_5, %mul3A_7 : vector<2048x1xi32>
    %add3A_9 = arith.addi %mul3A_8, %reshape3A : vector<2048x1xi32>
    %rem3A = arith.constant 128 : i32
    %rem3A_10 = vector.broadcast %rem3A : i32 to vector<2048x1xi32>
    %rem3A_11 = arith.remsi %add3A_9, %rem3A_10 : vector<2048x1xi32>
    %iota3A_12 = tpu.iota {dimensions = array<i32: 1>} : vector<2048x128xi32>
    %eq3A = vector.broadcast %rem3A_11 : vector<2048x1xi32> to vector<2048x128xi32>
    %eq3A_13 = arith.cmpi eq, %iota3A_12, %eq3A : vector<2048x128xi32>
    %get3A_14 = arith.constant 0 : index
    %get3A_15 = arith.constant 0 : index
    %get3A_16 = vector.load %arg1[%get3A_14, %get3A_15] : memref<2048x128xf32, #tpu.memory_space<vmem>>, vector<2048x128xf32>
    %jit3A = arith.constant 0.000000e+00 : f32
    %broadcast_in_dim3A = vector.broadcast %jit3A : f32 to vector<2048x128xf32>
    %select_n3A = arith.select %eq3A_13, %get3A_16, %broadcast_in_dim3A : vector<2048x128xi1>, vector<2048x128xf32>
    %reduce_sum3A = vector.shape_cast %select_n3A : vector<2048x128xf32> to vector<1x2048x128xf32>
    %reduce_sum3A_17 = arith.constant dense<0.000000e+00> : vector<1xf32>
    %reduce_sum3A_18 = vector.multi_reduction <add>, %reduce_sum3A, %reduce_sum3A_17 [1, 2] : vector<1x2048x128xf32> to vector<1xf32>
    %reduce_sum3A_19 = vector.shape_cast %reduce_sum3A_18 : vector<1xf32> to vector<1x1x1xf32>
    %reduce_sum3A_20 = vector.extract %reduce_sum3A_19[0, 0, 0] : f32 from vector<1x1x1xf32>
    %reshape3A_21 = vector.broadcast %reduce_sum3A_20 : f32 to vector<1x1xf32>
    %eq3A_22 = arith.constant 0 : i32
    %eq3A_23 = arith.cmpi eq, %arg0, %eq3A_22 : i32
    %convert_element_type3A = arith.extui %eq3A_23 : i1 to i32
    %cond3A = arith.constant 0 : i32
    %cond3A_24 = arith.cmpi ne, %convert_element_type3A, %cond3A : i32
    scf.if %cond3A_24 {
      %broadcast_in_dim3A_31 = arith.constant 0.000000e+00 : f32
      %broadcast_in_dim3A_32 = vector.broadcast %broadcast_in_dim3A_31 : f32 to vector<1x1xf32>
      %swap3A_33 = arith.constant 0 : index
      %swap3A_34 = arith.constant 0 : index
      %swap3A_35 = vector.load %arg3[%swap3A_33, %swap3A_34] : memref<1x1xf32, #tpu.memory_space<vmem>>, vector<1x1xf32>
      tpu.vector_store %arg3[%swap3A_33, %swap3A_34], %broadcast_in_dim3A_32 {strides = array<i32>} : memref<1x1xf32, #tpu.memory_space<vmem>>, vector<1x1xf32>,
    } else {
    }
    %get3A_25 = arith.constant 0 : index
    %get3A_26 = arith.constant 0 : index
    %get3A_27 = vector.load %arg3[%get3A_25, %get3A_26] : memref<1x1xf32, #tpu.memory_space<vmem>>, vector<1x1xf32>
    %add3A_28 = arith.addf %get3A_27, %reshape3A_21 : vector<1x1xf32>
    %swap3A = arith.constant 0 : index
    %swap3A_29 = arith.constant 0 : index
    %swap3A_30 = vector.load %arg3[%swap3A, %swap3A_29] : memref<1x1xf32, #tpu.memory_space<vmem>>, vector<1x1xf32>
    tpu.vector_store %arg3[%swap3A, %swap3A_29], %add3A_28 {strides = array<i32>} : memref<1x1xf32, #tpu.memory_space<vmem>>, vector<1x1xf32>,
    return
  }
  func.func @transform_0(%arg0: i32) -> (i32, i32) {
    %c0_i32 = arith.constant 0 : i32
    %c0_i32_0 = arith.constant 0 : i32
    return %arg0, %c0_i32 : i32, i32
  }
  func.func @transform_1(%arg0: i32) -> (i32, i32, i32) {
    %c0_i32 = arith.constant 0 : i32
    %c0_i32_0 = arith.constant 0 : i32
    %c0_i32_1 = arith.constant 0 : i32
    return %arg0, %c0_i32, %c0_i32_0 : i32, i32, i32
  }
  func.func @transform_2(%arg0: i32) -> (i32, i32) {
    %c0_i32 = arith.constant 0 : i32
    %c0_i32_0 = arith.constant 0 : i32
    %c0_i32_1 = arith.constant 0 : i32
    return %c0_i32, %c0_i32_0 : i32, i32
  }
}

</mosaic_0001>

<sc_bundles>
// kernel: kernel.5.cloned.1.call-start
scs
__scs_entry_jumppad:
0x0: {  	(pc) =	sbr.rel $0x88, $3  }
0x1: {  	(tag) =	ssettag $0x0;
	lr =	simm.s32 $0x1  }
0x2: {  	[smem:$0x3F9F] =	sst lr;
	_ =	strace $0xD0000000  }
0x3: {  	_ = 	snop  }
0x4: {  	_ = 	snop  }
0x5: {  	_ = 	snop  }
0x6: {  	_ = 	snop  }
0x7: {  	_ = 	snop  }
__scs_overlays_trampoline_lowered:
0x8: {  	[smem:$0x3FAE] =	sst s0  }
0x9: {  	[smem:$0x3FAF] =	sst s1  }
0xa: {  	[smem:$0x3FB0] =	sst s2  }
0xb: {  	[smem:$0x3FB1] =	sst s3  }
0xc: {  	[smem:$0x3FB2] =	sst s4  }
0xd: {  	[smem:$0x3FB3] =	sst s5  }
0xe: {  	[smem:$0x3FB4] =	sst s6  }
0xf: {  	[smem:$0x3FB5] =	sst s7  }
0x10: {  	[smem:$0x3FB6] =	sst s8  }
0x11: {  	[smem:$0x3FB7] =	sst s9;
	s0 =	simm.s32 @!p0 $0x0  }
0x12: {  	s1 =	sld [smem:$0x3F9D];
	s0 =	simm.s32 @p0 $0x1  }
0x13: {  	[smem:$0x3FB8] =	sst s0;
	s0 =	simm.s32 @!p1 $0x0  }
0x14: {  	s2 =	sld [smem:$0x3F9C];
	s0 =	simm.s32 @p1 $0x1  }
0x15: {  	[smem:$0x3FB9] =	sst s0;
	s0 =	simm.s32 @!p2 $0x0  }
0x16: {  	s3 =	sld [smem:$0x3FDB];
	s0 =	simm.s32 @p2 $0x1  }
0x17: {  	s4 =	simm.s32 $0x1BF5;
	[smem:$0x3FBB] =	sst s0  }
0x18: {  	s0 =	sld [smem:$0x3F9E];
	_ =	swait.ge [sflag:s4], $0x0  }
0x19: {  	s7 =	sld [smem:$0x3F9F]  }
0x1a: {  	s8 =	sadd.s32 $0xFFFFE003, lr  }
0x1b: {  	s9 =	sadd.s32 $0xFFFFFEF7, lr;
	s5 =	simm.s32 $0xFFFFFFFF;
	p2 =	slt.u32 s8, $0xFFFFF086  }
0x1c: {  	p1 =	slt.u32 s9, $0xF7A;
	s5 =	simm.s32 @!p2 $0x0  }
0x1d: {  	s5 =	simm.s32 @p1 $0x1;
	p0 =	seq.s32 s7, s2  }
0x1e: {  	s7 =	smul.u32 @!p0 $0xF7A, s2;
	p2 =	seq.s32 @!p0 s5, $0x0  }
0x1f: {  	s9 =	smul.u32 $0xF7A, s1;
	s8 =	simm.s32 @!p0 $0x1BF5;
	p2 =	por !p2, p0  }
0x20: {  	[sflag:s8] =	ssyncset.s32 @!p0 $0xFFFFF086;
	s6 =	sadd.s32 @!p0 s3, s7;
	s7 =	simm.s32 @!p0 $0x108  }
0x21: {  	s3 =	sadd.s32 s3, s9;
	s6 =	sadd.s32 @!p0 $0x88, s6;
	s7 =	simm.s32 @p2 $0x1082  }
0x22: {  	[simem:s7], [sflag:s8] =	dma.local @!p0 [hbm:s6], $0xF7A  }
0x23: {  	s9 =	sor.u32 $0xD0000000, s2;
	s6 =	simm.s32 $0x108;
	_ =	swait.ge @!p0 [sflag:s8], $0x0  }
0x24: {  	s3 =	sadd.s32 $0x88, s3;
	s6 =	simm.s32 @!p1 $0x1082;
	[sflag:s4] =	ssyncset.s32 $0xFFFFF086  }
0x25: {  	[simem:s6], [sflag:s4] =	dma.local [hbm:s3], $0xF7A  }
0x26: {  	[smem:$0x3F9F] =	sst s1;
	(tag) =	ssettag s2;
	_ =	strace s9  }
0x27: {  	s1 =	sld [smem:$0x3FAF]  }
0x28: {  	s2 =	sld [smem:$0x3FB0]  }
0x29: {  	s4 =	sld [smem:$0x3FB2]  }
0x2a: {  	p0 =	seq.s32 s5, $0x0;
	s5 =	sld [smem:$0x3FB3]  }
0x2b: {  	s6 =	sld [smem:$0x3FB4]  }
0x2c: {  	s7 =	sld [smem:$0x3FB5]  }
0x2d: {  	s3 =	simm.s32 $0x108;
	s8 =	sld [smem:$0x3FB6]  }
0x2e: {  	s3 =	simm.s32 @!p0 $0x1082;
	s9 =	sld [smem:$0x3FB7]  }
0x2f: {  	lr =	sadd.s32 s0, s3;
	s0 =	sld [smem:$0x3FAE]  }
0x30: {  	s3 =	sld [smem:$0x3FB1]  }
0x31: {  	[smem:$0x3FBA] =	sst s10  }
0x32: {  	s10 =	sld [smem:$0x3FB8];
	_ =	sdelay $0x3  }
0x33: {  	p0 =	seq.s32 s10, $0x1;
	s10 =	sld [smem:$0x3FBA];
	_ =	sdelay $0x3  }
0x34: {  	[smem:$0x3FBA] =	sst s10  }
0x35: {  	s10 =	sld [smem:$0x3FB9];
	_ =	sdelay $0x3  }
0x36: {  	p1 =	seq.s32 s10, $0x1;
	s10 =	sld [smem:$0x3FBA];
	_ =	sdelay $0x3  }
0x37: {  	[smem:$0x3FBA] =	sst s10  }
0x38: {  	s10 =	sld [smem:$0x3FBB]  }
0x39: {  	_ = 	snop;
	(pc) =	sbr.ind lr, $3  }
0x3a: {  	_ = 	snop  }
0x3b: {  	_ = 	snop  }
0x3c: {  	p2 =	seq.s32 s10, $0x1;
	s10 =	sld [smem:$0x3FBA]  }
0x3d: {  	_ =	shalt  }
0x3e: {  	_ =	shalt  }
0x3f: {  	_ =	shalt  }
0x40: {  	_ =	shalt  }
0x41: {  	_ =	shalt  }
0x42: {  	_ =	shalt  }
0x43: {  	_ =	shalt  }
0x44: {  	_ =	shalt  }
0x45: {  	_ =	shalt  }
0x46: {  	_ =	shalt  }
0x47: {  	_ =	shalt  }
0x48: {  	_ =	shalt  }
0x49: {  	_ =	shalt  }
0x4a: {  	_ =	shalt  }
0x4b: {  	_ =	shalt  }
0x4c: {  	_ =	shalt  }
0x4d: {  	_ =	shalt  }
0x4e: {  	_ =	shalt  }
0x4f: {  	_ =	shalt  }
0x50: {  	_ =	shalt  }
0x51: {  	_ =	shalt  }
0x52: {  	_ =	shalt  }
0x53: {  	_ =	shalt  }
0x54: {  	_ =	shalt  }
0x55: {  	_ =	shalt  }
0x56: {  	_ =	shalt  }
0x57: {  	_ =	shalt  }
0x58: {  	_ =	shalt  }
0x59: {  	_ =	shalt  }
0x5a: {  	_ =	shalt  }
0x5b: {  	_ =	shalt  }
0x5c: {  	_ =	shalt  }
0x5d: {  	_ =	shalt  }
0x5e: {  	_ =	shalt  }
0x5f: {  	_ =	shalt  }
0x60: {  	_ =	shalt  }
0x61: {  	_ =	shalt  }
0x62: {  	_ =	shalt  }
0x63: {  	_ =	shalt  }
0x64: {  	_ =	shalt  }
0x65: {  	_ =	shalt  }
0x66: {  	_ =	shalt  }
0x67: {  	_ =	shalt  }
0x68: {  	_ =	shalt  }
0x69: {  	_ =	shalt  }
0x6a: {  	_ =	shalt  }
0x6b: {  	_ =	shalt  }
0x6c: {  	_ =	shalt  }
0x6d: {  	_ =	shalt  }
0x6e: {  	_ =	shalt  }
0x6f: {  	_ =	shalt  }
0x70: {  	_ =	shalt  }
0x71: {  	_ =	shalt  }
0x72: {  	_ =	shalt  }
0x73: {  	_ =	shalt  }
0x74: {  	_ =	shalt  }
0x75: {  	_ =	shalt  }
0x76: {  	_ =	shalt  }
0x77: {  	_ =	shalt  }
0x78: {  	_ =	shalt  }
0x79: {  	_ =	shalt  }
0x7a: {  	_ =	shalt  }
0x7b: {  	_ =	shalt  }
0x7c: {  	_ =	shalt  }
0x7d: {  	_ =	shalt  }
0x7e: {  	_ =	shalt  }
0x7f: {  	_ =	shalt  }
0x80: {  	_ =	shalt  }
0x81: {  	_ =	shalt  }
0x82: {  	_ =	shalt  }
0x83: {  	_ =	shalt  }
0x84: {  	_ =	shalt  }
0x85: {  	_ =	shalt  }
0x86: {  	_ =	shalt  }
0x87: {  	_ =	shalt  }
.Lfunc_end0:
.L_simem_size_0:
called_computation_lowered:
.L_overlay_start_0:
0x88: {  	s2 =	sld [smem:$0x3FD9]  }
0x89: {  	s3 =	sld [smem:$0x3FFE];
	_ =	sdelay $0x1  }
0x8a: {  	s1 =	srdreg.scid  }
0x8b: {  	s0 =	sand.u32 $0x1, s1  }
0x8c: {  	s17 =	sshll.u32 s0, $0xA;
	s2 =	sadd.s32 s3, s2  }
0x8d: {  	s2 =	sadd.s32 s2, s17  }
0x8e: {  	[smem:$0x3FC6] =	sst s2  }
0x8f: {  	_ = 	snop  }
0x90: {  	s2 =	sld [smem:$0x3FC8];
	(tm) =	ssettm $0x1  }
0x91: {  	s18 =	sld [smem:$0x3FFB];
	_ =	sdelay $0x3  }
0x92: {  	_ =	strace s18  }
0x93: {  	s3 =	sld [smem:$0x3FFC];
	_ =	sdelay $0x3  }
0x94: {  	_ =	strace s3  }
0x95: {  	s3 =	sld [smem:$0x3FFD];
	_ =	sdelay $0x3  }
0x96: {  	_ =	strace s3  }
0x97: {  	_ =	strace $0x8FFFFFFF  }
0x98: {  	s19 =	sld [smem:$0x3FDB];
	_ =	sdelay $0x1  }
0x99: {  	s4 =	simm.s32 $_scs_section_size  }
0x9a: {  	s5 =	simm.s32 $_size__tile_overlayer_lowered;
	s6 =	simm.s32 $_tile_overlayer_lowered  }
0x9b: {  	s22 =	simm.s32 $0x1BFF;
	s21 =	sshll.u32 s6, $0x1;
	s3 =	sadd.s32 s4, s19  }
0x9c: {  	s7 =	simm.s32 $0x0;
	s20 =	sshll.u32 s5, $0x1;
	s5 =	sadd.s32 s21, s3  }
0x9d: {  	[timem:s7], [sflag:s22] =	dma.local [hbm:s5], s20  }
0x9e: {  	_ =	swait.ge [sflag:s22], s20  }
0x9f: {  	s4 =	ssub.s32 $0x0, s20;
	[sflag:s22] =	ssyncset.done $0x0  }
0xa0: {  	[sflag:s22] =	ssyncadd.s32 s4;
	_ =	sdelay $0x1  }
0xa1: {  	s23 =	simm.s32 $0x1B8B  }
0xa2: {  	_ =	swait.ge [sflag:s23], $0x1  }
0xa3: {  	[sflag:s23] =	ssyncset.done $0x0  }
0xa4: {  	s25 =	simm.s32 $0x1B8E;
	s24 =	sld [smem:$0x3FFE];
	[sflag:s23] =	ssyncadd.s32 $0xFFFFFFFF  }
0xa5: {  	s26 =	simm.s32 $execute0_lowered;
	[smem:$0x3FD2] =	sst s25  }
0xa6: {  	s5 =	sshll.u32 s26, $0x1;
	_ =	strace $0x80000046;
	[dreg:$0x1] =	wrdreg $0xFFFFFFFF  }
0xa7: {  	s28 =	simm.s32 $_size_execute0_lowered;
	s3 =	sadd.s32 s3, s5;
	[dreg:$0x0] =	wrdreg $0x0  }
0xa8: {  	s5 =	sshll.u32 s28, $0x1;
	[dreg:$0x2] =	wrdreg s3  }
0xa9: {  	[dreg:$0x3] =	wrdreg s5  }
0xaa: {  	[dreg:$0x4] =	wrdreg $0xC0  }
0xab: {  	_ =	task [dreg:s7], $0x5FFFF  }
0xac: {  	[dreg:$0x1] =	wrdreg $0xFFFFFFFF  }
0xad: {  	[dreg:$0x0] =	wrdreg $0x60  }
0xae: {  	[dreg:$0x2] =	wrdreg s24  }
0xaf: {  	[dreg:$0x3] =	wrdreg s2  }
0xb0: {  	[dreg:$0x4] =	wrdreg $0x9  }
0xb1: {  	_ =	task.clear_ibuf [dreg:s7], $0x5FFFF;
	_ =	strace $0x90000046  }
0xb2: {  	s29 =	simm.s32 $0x9;
	_ =	strace $0x80000048  }
0xb3: {  	_ =	swait.ge [sflag:s29], $0x1  }
0xb4: {  	[sflag:s29] =	ssyncadd.s32 $0xFFFFFFFF  }
0xb5: {  	_ =	strace $0x90000048  }
0xb6: {  	_ =	sfence  }
0xb7: {  	s30 =	sld [smem:$0x0];
	_ =	sdelay $0x2  }
0xb8: {  	s31 =	sshll.u32 s1, $0xD;
	s1 =	sshrl.u32 s1, $0x2  }
0xb9: {  	s3 =	sand.u32 $0x4000, s31;
	s1 =	sadd.s32 s1, s30  }
0xba: {  	s0 =	sor.u32 s3, s0;
	s1 =	sshll.u32 s1, $0x11  }
0xbb: {  	s0 =	sor.u32 s1, s0  }
0xbc: {  	s0 =	sadd.s32 $0x8F2B, s0  }
0xbd: {  	[sflag:s0] =	ssyncadd.remote.s32 $0x1  }
0xbe: {  	_ =	sfence.sel $0xFFFF  }
0xbf: {  	[dreg:$0x0] =	wrdreg $0xFFFFFFFF;
	(pc) =	sbr.abs _section_cstart, $3  }
0xc0: {  	[dreg:$0x1] =	wrdreg $0xFFFFFFFF  }
0xc1: {  	_ =	task.clear_ibuf [dreg:s7], $0x2FFFF;
	_ =	strace $0x9FFFFFFF  }
0xc2: {  	(tm) =	ssettm $0x7FFFFFFF  }
0xc3: {  	_ =	shalt  }
tec
execute0_lowered:
.L_overlay_start_1:
0x0: {  	(tag) =	ssettag $0x1  }
0x1: {  	s4 =	rddreg [dreg:$0x0]  }
0x2: {  	s5 =	rddreg [dreg:$0x1]  }
0x3: {  	s0 =	rddreg [dreg:$0x2];
	s2 =	simm.s32 $0x0  }
0x4: {  	s3 =	srdreg.scid;
	s1 =	stileid.u32;
	p0 =	por $0x0, $0x0  }
0x5: {  	[smem:$0x7FF] =	sst s2;
	s6 =	sand.u32 $0x1, s3;
	s7 =	sshll.u32 s1, $0x1  }
0x6: {  	s3 =	sadd.s32 $0x200800, s4;
	_ =	strace $0x80000047;
	s7 =	sor.u32 s6, s7  }
0x7: {  	s6 =	ssub.s32 $0x2, s6;
	s8 =	sshll.u32 s7, $0xD;
	s10 =	smul.u32 $0x7D000, s7  }
0x8: {  	s22 =	sshrl.u32 s6, $0x1;
	s7 =	sshll.u32 s7, $0x6;
	s4 =	sadd.s32 s8, s4  }
0x9: {  	v0 =	vlaneseq.u32;
	s6 =	ssub.s32 s6, s22;
	s9 =	sadd.s32 s5, s7;
	s7 =	simm.s32 $0x200  }
0xa: {  	v25 =	vmul.u32 $0x3E8, v0;
	s8 =	simm.s32 $0x1;
	s23 =	sadd.s32 $0x3E80, s10;
	s24 =	sadd.s32 $0x7D00, s10  }
0xb: {  	s25 =	sadd.s32 $0xBB80, s10;
	s11 =	sadd.s32 $0xFA00, s10;
	s12 =	sadd.s32 $0x13880, s10  }
0xc: {  	s13 =	sadd.s32 $0x17700, s10;
	s14 =	sadd.s32 $0x1B580, s10;
	s26 =	sadd.s32 $0x1F400, s10;
	v8 =	vadd.s32 s10, v25;
	v0 =	vadd.s32 s23, v25  }
0xd: {  	s28 =	sadd.s32 $0x23280, s10;
	s15 =	sadd.s32 $0x27100, s10;
	s29 =	sadd.s32 $0x2AF80, s10;
	v24 =	vadd.s32 s24, v25;
	v21 =	vadd.s32 s25, v25;
	v23 =	vadd.s32 s11, v25  }
0xe: {  	s30 =	sadd.s32 $0x2EE00, s10;
	s31 =	sadd.s32 $0x32C80, s10;
	s16 =	sadd.s32 $0x3E800, s10;
	v19 =	vadd.s32 s12, v25;
	v20 =	vadd.s32 s13, v25;
	v17 =	vadd.s32 s14, v25  }
0xf: {  	s17 =	sadd.s32 $0x42680, s10;
	s18 =	sadd.s32 $0x46500, s10;
	s19 =	sadd.s32 $0x4A380, s10;
	v18 =	vadd.s32 s26, v25;
	v16 =	vadd.s32 s28, v25;
	v15 =	vadd.s32 s15, v25  }
0x10: {  	s20 =	sadd.s32 $0x4E200, s10;
	s21 =	sadd.s32 $0x52080, s10;
	v13 =	vadd.s32 s29, v25;
	v14 =	vadd.s32 s30, v25;
	v12 =	vadd.s32 s31, v25;
	s31 =	smax.u32 s6, $0x1  }
0x11: {  	s22 =	sadd.s32 $0x55F00, s10;
	s5 =	sadd.s32 $0x3F4800, s4;
	v9 =	vadd.s32 s16, v25;
	v6 =	vadd.s32 s17, v25;
	v26 =	vadd.s32 s18, v25;
	p1 =	sne.s32 s31, $0x1  }
.Ltmp0:
0x12: {  	s13 =	sadd.s32 $0x36B00, s10;
	s14 =	sadd.s32 $0x3A980, s10;
	v7 =	vadd.s32 s19, v25;
	v2 =	vadd.s32 s20, v25;
	v3 =	vadd.s32 s21, v25;
	(pc) =	sbr.rel @!p1 .LBB2_3-.Ltmp0, $4  }
0x13: {  	s23 =	sadd.s32 $0x59D80, s10;
	s24 =	sadd.s32 $0x5DC00, s10;
	s25 =	sadd.s32 $0x61A80, s10;
	v1 =	vadd.s32 s22, v25;
	v11 =	vadd.s32 s13, v25;
	v10 =	vadd.s32 s14, v25  }
0x14: {  	s26 =	sadd.s32 $0x65900, s10;
	s28 =	sadd.s32 $0x69780, s10;
	s16 =	sadd.s32 $0x6D600, s10;
	v31 =	vadd.s32 s23, v25;
	v27 =	vadd.s32 s24, v25;
	v30 =	vadd.s32 s25, v25  }
0x15: {  	s29 =	sadd.s32 $0x71480, s10;
	s30 =	sadd.s32 $0x75300, s10;
	s10 =	sadd.s32 $0x79180, s10;
	v5 =	vadd.s32 s26, v25;
	v4 =	vadd.s32 s28, v25;
	v28 =	vadd.s32 s16, v25  }
0x16: {  	s4 =	simm.s32 $0x2;
	s6 =	simm.s32 $0x400;
	v29 =	vadd.s32 s29, v25;
	v22 =	vadd.s32 s30, v25;
	v25 =	vadd.s32 s10, v25;
	s10 =	sadd.s32 $0xFFFFFFFF, s31  }
0x17: {  	[tilespmem:s2], [sflag:$0x2] =	stream.linear.gather [hbm4b:s9+s2], $0x200, $0x38;
	[tilespmem:$0x10400] =	vst v63  }
0x18: {  	_ =	swait.ge [sflag:s4], $0x200  }
0x19: {  	[sflag:s4] =	ssyncset.done $0x0  }
0x1a: {  	[sflag:s4] =	ssyncadd.s32 $0xFFFFFE00  }
0x1b: {  	v33 =	vld [tilespmem:$0x180]  }
0x1c: {  	v32 =	vld [tilespmem:$0x170]  }
0x1d: {  	v34 =	vld [tilespmem:$0x20]  }
0x1e: {  	v35 =	vld [tilespmem:$0x190]  }
0x1f: {  	v37 =	vld [tilespmem:$0x120]  }
0x20: {  	p1 =	sne.s32 s10, $0x1;
	v40 =	vld [tilespmem:$0x1A0]  }
.Ltmp1:
0x21: {  	v36 =	vadd.s32 v32, v31;
	v32 =	vld [tilespmem:$0x1B0];
	(pc) =	sbr.rel @!p1 .LBB2_3-.Ltmp1, $4  }
0x22: {  	v38 =	vadd.s32 v34, v24;
	v34 =	vld [tilespmem:$0x1C0];
	v36 =	vshra.s32 v36, $0x7  }
0x23: {  	v39 =	vadd.s32 v35, v30;
	v35 =	vld [tilespmem:$0x1D0];
	v38 =	vshra.s32 v38, $0x7;
	[tilespmem:$0x370] =	vst v36  }
0x24: {  	v33 =	vadd.s32 v33, v27;
	v41 =	vadd.s32 v37, v26;
	v42 =	vshra.s32 v39, $0x7;
	[tilespmem:$0x220] =	vst v38;
	v36 =	vld [tilespmem:$0x40]  }
0x25: {  	s10 =	sadd.s32 $0xFFFFFFFF, s10;
	p0 =	por $0x1, $0x1;
	v37 =	vld [tilespmem:$0x30];
	v39 =	vshra.s32 v41, $0x7;
	v38 =	vshra.s32 v33, $0x7;
	[tilespmem:$0x390] =	vst v42;
	v33 =	vadd.s32 v40, v5  }
.LBB2_2:
0x26: {  	p1 =	sne.s32 s10, $0x1;
	s10 =	sadd.s32 $0xFFFFFFFF, s10;
	v40 =	vld [tilespmem:$0x50];
	[tilespmem:$0x320] =	vst v39  }
0x27: {  	v39 =	vld [tilespmem:$0x60];
	[tilespmem:$0x380] =	vst v38;
	v34 =	vadd.s32 v34, v28  }
0x28: {  	v33 =	vshra.s32 v33, $0x7;
	v38 =	vld [tilespmem:$0x80];
	v34 =	vshra.s32 v34, $0x7;
	v35 =	vadd.s32 v35, v29  }
0x29: {  	v32 =	vadd.s32 v32, v4;
	v36 =	vadd.s32 v36, v23;
	v41 =	vld [tilespmem:$0x70];
	[tilespmem:$0x3C0] =	vst v34;
	v34 =	vshra.s32 v35, $0x7  }
0x2a: {  	v32 =	vshra.s32 v32, $0x7;
	v35 =	vadd.s32 v37, v21;
	v36 =	vshra.s32 v36, $0x7;
	[tilespmem:$0x3D0] =	vst v34;
	v34 =	vld [tilespmem:$0x1F0]  }
0x2b: {  	v35 =	vshra.s32 v35, $0x7;
	[tilespmem:$0x240] =	vst v36;
	v36 =	vadd.s32 v40, v19;
	v37 =	vld [tilespmem:$0x90]  }
0x2c: {  	[tilespmem:$0x230] =	vst v35;
	v35 =	vshra.s32 v36, $0x7;
	v36 =	vadd.s32 v39, v20;
	v39 =	vld [tilespmem:$0xA0]  }
0x2d: {  	[tilespmem:$0x250] =	vst v35;
	v35 =	vshra.s32 v36, $0x7;
	v36 =	vadd.s32 v38, v18;
	v38 =	vld [tilespmem:$0xB0]  }
0x2e: {  	[tilespmem:$0x260] =	vst v35;
	v35 =	vadd.s32 v41, v17;
	v36 =	vshra.s32 v36, $0x7;
	v40 =	vld [tilespmem:$0xC0]  }
0x2f: {  	v35 =	vshra.s32 v35, $0x7;
	[tilespmem:$0x280] =	vst v36;
	v36 =	vld [tilespmem:$0xD0];
	v34 =	vadd.s32 v34, v25  }
0x30: {  	[tilespmem:$0x270] =	vst v35;
	v35 =	vadd.s32 v37, v16;
	v37 =	vld [tilespmem:$0xE0];
	v34 =	vshra.s32 v34, $0x7  }
0x31: {  	v35 =	vshra.s32 v35, $0x7;
	v39 =	vadd.s32 v39, v15;
	v41 =	vld [tilespmem:$0xF0];
	[tilespmem:$0x3F0] =	vst v34  }
0x32: {  	[tilespmem:$0x290] =	vst v35;
	v34 =	vshra.s32 v39, $0x7;
	v35 =	vadd.s32 v38, v13;
	v38 =	vld [tilespmem:$0x1E0]  }
0x33: {  	[tilespmem:$0x2A0] =	vst v34;
	v34 =	vshra.s32 v35, $0x7;
	v35 =	vadd.s32 v40, v14;
	v39 =	vld [tilespmem:$0x100]  }
0x34: {  	[tilespmem:$0x2B0] =	vst v34;
	v34 =	vshra.s32 v35, $0x7;
	v35 =	vadd.s32 v36, v12;
	v36 =	vld [tilespmem:$0x110]  }
0x35: {  	[tilespmem:$0x2C0] =	vst v34;
	v34 =	vshra.s32 v35, $0x7;
	v35 =	vadd.s32 v37, v11;
	v37 =	vld [tilespmem:$0x130]  }
0x36: {  	v40 =	vld [tilespmem:$0x0];
	[tilespmem:$0x2D0] =	vst v34;
	v34 =	vshra.s32 v35, $0x7;
	v35 =	vadd.s32 v41, v10  }
0x37: {  	[tilespmem:$0x2E0] =	vst v34;
	v34 =	vshra.s32 v35, $0x7;
	v35 =	vld [tilespmem:$0x140];
	v38 =	vadd.s32 v38, v22  }
0x38: {  	[tilespmem:$0x2F0] =	vst v34;
	v34 =	vadd.s32 v39, v9;
	v39 =	vld [tilespmem:$0x150];
	v38 =	vshra.s32 v38, $0x7  }
0x39: {  	v41 =	vld [tilespmem:$0x10];
	v34 =	vshra.s32 v34, $0x7;
	v36 =	vadd.s32 v36, v6;
	[tilespmem:$0x3E0] =	vst v38  }
0x3a: {  	[tilespmem:$0x300] =	vst v34;
	v34 =	vshra.s32 v36, $0x7;
	v36 =	vadd.s32 v37, v7;
	v37 =	vld [tilespmem:$0x160]  }
0x3b: {  	v38 =	vadd.s32 v40, v8;
	[tilespmem:$0x310] =	vst v34;
	v34 =	vshra.s32 v36, $0x7  }
0x3c: {  	v36 =	vshra.s32 v38, $0x7;
	[tilespmem:$0x330] =	vst v34;
	v34 =	vadd.s32 v35, v2  }
0x3d: {  	[tilespmem:$0x200] =	vst v36;
	v34 =	vshra.s32 v34, $0x7;
	v35 =	vadd.s32 v39, v3  }
0x3e: {  	v36 =	vadd.s32 v41, v0;
	[tilespmem:$0x340] =	vst v34;
	v34 =	vshra.s32 v35, $0x7  }
0x3f: {  	v35 =	vshra.s32 v36, $0x7;
	[tilespmem:$0x350] =	vst v34;
	v34 =	vadd.s32 v37, v1  }
0x40: {  	[tilespmem:$0x210] =	vst v35;
	v34 =	vshra.s32 v34, $0x7  }
0x41: {  	[tilespmem:$0x360] =	vst v34  }
0x42: {  	[tilespmem:$0x3A0] =	vst v33  }
0x43: {  	[tilespmem:$0x3B0] =	vst v32  }
0x44: {  	[tilespmem:s6], [sflag:$0x1] =	stream.indirect.gather [hbm4b:s3+s7], $0x80, s7, s7, $0xb8;
	[tilespmem:$0x10400] =	vst v63  }
0x45: {  	_ =	swait.ge [sflag:s8], $0x10000  }
0x46: {  	[sflag:s8] =	ssyncset.done $0x0  }
0x47: {  	[sflag:s8] =	ssyncadd.s32 $0xFFFF0000  }
0x48: {  	[hbm4b:s5+s2] =	stream.linear.scatter [tilespmem:s6], [sflag:$0x2], $0x10000, $0x38;
	[tilespmem:$0x10400] =	vst v63  }
0x49: {  	_ =	swait.ge [sflag:s4], $0x10000  }
0x4a: {  	[sflag:s4] =	ssyncset.done $0x0  }
0x4b: {  	[sflag:s4] =	ssyncadd.s32 $0xFFFF0000  }
0x4c: {  	[tilespmem:s2], [sflag:$0x2] =	stream.linear.gather [hbm4b:s9+s2], $0x200, $0x38;
	[tilespmem:$0x10400] =	vst v63  }
0x4d: {  	_ =	swait.ge [sflag:s4], $0x200  }
0x4e: {  	[sflag:s4] =	ssyncset.done $0x0  }
0x4f: {  	[sflag:s4] =	ssyncadd.s32 $0xFFFFFE00  }
0x50: {  	v33 =	vld [tilespmem:$0x180]  }
0x51: {  	v32 =	vld [tilespmem:$0x170]  }
0x52: {  	v34 =	vld [tilespmem:$0x20]  }
0x53: {  	v35 =	vld [tilespmem:$0x190]  }
0x54: {  	v37 =	vld [tilespmem:$0x120]  }
0x55: {  	v40 =	vld [tilespmem:$0x1A0]  }
.Ltmp2:
0x56: {  	v36 =	vadd.s32 v32, v31;
	v32 =	vld [tilespmem:$0x1B0];
	(pc) =	sbr.rel @p1 .LBB2_2-.Ltmp2, $4  }
0x57: {  	v33 =	vadd.s32 v33, v27;
	v38 =	vadd.s32 v34, v24;
	v36 =	vshra.s32 v36, $0x7;
	v34 =	vld [tilespmem:$0x1C0]  }
0x58: {  	v39 =	vshra.s32 v38, $0x7;
	[tilespmem:$0x370] =	vst v36;
	v38 =	vshra.s32 v33, $0x7;
	v33 =	vadd.s32 v35, v30;
	v35 =	vld [tilespmem:$0x1D0]  }
0x59: {  	[tilespmem:$0x220] =	vst v39;
	v36 =	vld [tilespmem:$0x40];
	v39 =	vadd.s32 v37, v26;
	v33 =	vshra.s32 v33, $0x7  }
0x5a: {  	v37 =	vld [tilespmem:$0x30];
	v39 =	vshra.s32 v39, $0x7;
	[tilespmem:$0x390] =	vst v33;
	v33 =	vadd.s32 v40, v5  }
.LBB2_3:
0x5b: {  	[tilespmem:$0x320] =	vst @p0 v39  }
0x5c: {  	v40 =	vld @p0 [tilespmem:$0x50];
	[tilespmem:$0x380] =	vst @p0 v38;
	v33 =	vshra.s32 @p0 v33, $0x7;
	v32 =	vadd.s32 @p0 v32, v4  }
0x5d: {  	v39 =	vld @p0 [tilespmem:$0x60];
	v34 =	vadd.s32 @p0 v34, v28;
	v32 =	vshra.s32 @p0 v32, $0x7;
	[tilespmem:$0x3A0] =	vst @p0 v33  }
0x5e: {  	v38 =	vld @p0 [tilespmem:$0x80];
	v34 =	vshra.s32 @p0 v34, $0x7;
	v35 =	vadd.s32 @p0 v35, v29;
	[tilespmem:$0x3B0] =	vst @p0 v32  }
0x5f: {  	v41 =	vld @p0 [tilespmem:$0x70];
	v36 =	vadd.s32 @p0 v36, v23;
	[tilespmem:$0x3C0] =	vst @p0 v34;
	v34 =	vshra.s32 @p0 v35, $0x7  }
0x60: {  	v35 =	vadd.s32 @p0 v37, v21;
	v36 =	vshra.s32 @p0 v36, $0x7;
	[tilespmem:$0x3D0] =	vst @p0 v34;
	v34 =	vld @p0 [tilespmem:$0x1F0]  }
0x61: {  	v37 =	vld @p0 [tilespmem:$0x90];
	v35 =	vshra.s32 @p0 v35, $0x7;
	[tilespmem:$0x240] =	vst @p0 v36;
	v36 =	vadd.s32 @p0 v40, v19  }
0x62: {  	[tilespmem:$0x230] =	vst @p0 v35;
	v35 =	vshra.s32 @p0 v36, $0x7;
	v36 =	vadd.s32 @p0 v39, v20;
	v39 =	vld @p0 [tilespmem:$0xA0]  }
0x63: {  	[tilespmem:$0x250] =	vst @p0 v35;
	v35 =	vshra.s32 @p0 v36, $0x7;
	v36 =	vadd.s32 @p0 v38, v18;
	v38 =	vld @p0 [tilespmem:$0xB0]  }
0x64: {  	v40 =	vld @p0 [tilespmem:$0xC0];
	[tilespmem:$0x260] =	vst @p0 v35;
	v35 =	vadd.s32 @p0 v41, v17;
	v36 =	vshra.s32 @p0 v36, $0x7  }
0x65: {  	v35 =	vshra.s32 @p0 v35, $0x7;
	[tilespmem:$0x280] =	vst @p0 v36;
	v36 =	vld @p0 [tilespmem:$0xD0];
	v34 =	vadd.s32 @p0 v34, v25  }
0x66: {  	[tilespmem:$0x270] =	vst @p0 v35;
	v35 =	vadd.s32 @p0 v37, v16;
	v37 =	vld @p0 [tilespmem:$0xE0];
	v34 =	vshra.s32 @p0 v34, $0x7  }
0x67: {  	v41 =	vld @p0 [tilespmem:$0xF0];
	v35 =	vshra.s32 @p0 v35, $0x7;
	v39 =	vadd.s32 @p0 v39, v15;
	[tilespmem:$0x3F0] =	vst @p0 v34  }
0x68: {  	[tilespmem:$0x290] =	vst @p0 v35;
	v34 =	vshra.s32 @p0 v39, $0x7;
	v35 =	vadd.s32 @p0 v38, v13;
	v38 =	vld @p0 [tilespmem:$0x1E0]  }
0x69: {  	v39 =	vld @p0 [tilespmem:$0x100];
	[tilespmem:$0x2A0] =	vst @p0 v34;
	v34 =	vshra.s32 @p0 v35, $0x7;
	v35 =	vadd.s32 @p0 v40, v14  }
0x6a: {  	[tilespmem:$0x2B0] =	vst @p0 v34;
	v34 =	vshra.s32 @p0 v35, $0x7;
	v35 =	vadd.s32 @p0 v36, v12;
	v36 =	vld @p0 [tilespmem:$0x110]  }
0x6b: {  	[tilespmem:$0x2C0] =	vst @p0 v34;
	v34 =	vshra.s32 @p0 v35, $0x7;
	v35 =	vadd.s32 @p0 v37, v11;
	v37 =	vld @p0 [tilespmem:$0x130]  }
0x6c: {  	v40 =	vld @p0 [tilespmem:$0x0];
	[tilespmem:$0x2D0] =	vst @p0 v34;
	v34 =	vshra.s32 @p0 v35, $0x7;
	v35 =	vadd.s32 @p0 v41, v10  }
0x6d: {  	[tilespmem:$0x2E0] =	vst @p0 v34;
	v34 =	vshra.s32 @p0 v35, $0x7;
	v35 =	vld @p0 [tilespmem:$0x140];
	v38 =	vadd.s32 @p0 v38, v22  }
0x6e: {  	[tilespmem:$0x2F0] =	vst @p0 v34;
	v34 =	vadd.s32 @p0 v39, v9;
	v39 =	vld @p0 [tilespmem:$0x150];
	v38 =	vshra.s32 @p0 v38, $0x7  }
0x6f: {  	v41 =	vld @p0 [tilespmem:$0x10];
	v34 =	vshra.s32 @p0 v34, $0x7;
	v36 =	vadd.s32 @p0 v36, v6;
	[tilespmem:$0x3E0] =	vst @p0 v38  }
0x70: {  	[tilespmem:$0x300] =	vst @p0 v34;
	v34 =	vshra.s32 @p0 v36, $0x7;
	v36 =	vadd.s32 @p0 v37, v7;
	v37 =	vld @p0 [tilespmem:$0x160]  }
0x71: {  	v38 =	vadd.s32 @p0 v40, v8;
	[tilespmem:$0x310] =	vst @p0 v34;
	v34 =	vshra.s32 @p0 v36, $0x7  }
0x72: {  	v36 =	vshra.s32 @p0 v38, $0x7;
	[tilespmem:$0x330] =	vst @p0 v34;
	v34 =	vadd.s32 @p0 v35, v2  }
0x73: {  	[tilespmem:$0x200] =	vst @p0 v36;
	v34 =	vshra.s32 @p0 v34, $0x7;
	v35 =	vadd.s32 @p0 v39, v3  }
0x74: {  	v36 =	vadd.s32 @p0 v41, v0;
	[tilespmem:$0x340] =	vst @p0 v34;
	v34 =	vshra.s32 @p0 v35, $0x7  }
0x75: {  	v35 =	vshra.s32 @p0 v36, $0x7;
	[tilespmem:$0x350] =	vst @p0 v34;
	v34 =	vadd.s32 @p0 v37, v1  }
0x76: {  	[tilespmem:$0x210] =	vst @p0 v35;
	v34 =	vshra.s32 @p0 v34, $0x7  }
0x77: {  	[tilespmem:$0x360] =	vst @p0 v34  }
0x78: {  	[tilespmem:s6], [sflag:$0x1] =	stream.indirect.gather @p0 [hbm4b:s3+s7], $0x80, s7, s7, $0xb8;
	[tilespmem:$0x10400] =	vst v63  }
0x79: {  	_ =	swait.ge @p0 [sflag:s8], $0x10000  }
0x7a: {  	[sflag:s8] =	ssyncset.done @p0 $0x0  }
0x7b: {  	[sflag:s8] =	ssyncadd.s32 @p0 $0xFFFF0000  }
0x7c: {  	[hbm4b:s5+s2] =	stream.linear.scatter @p0 [tilespmem:s6], [sflag:$0x2], $0x10000, $0x38;
	[tilespmem:$0x10400] =	vst v63  }
0x7d: {  	_ =	swait.ge @p0 [sflag:s4], $0x10000  }
0x7e: {  	[sflag:s4] =	ssyncset.done @p0 $0x0  }
0x7f: {  	[sflag:s4] =	ssyncadd.s32 @p0 $0xFFFF0000  }
0x80: {  	[tilespmem:s2], [sflag:$0x2] =	stream.linear.gather [hbm4b:s9+s2], $0x200, $0x38;
	[tilespmem:$0x10400] =	vst v63  }
0x81: {  	_ =	swait.ge [sflag:s4], $0x200  }
0x82: {  	[sflag:s4] =	ssyncset.done $0x0  }
0x83: {  	[sflag:s4] =	ssyncadd.s32 $0xFFFFFE00  }
0x84: {  	v59 =	vld [tilespmem:$0x170]  }
0x85: {  	v60 =	vld [tilespmem:$0x20]  }
0x86: {  	v61 =	vld [tilespmem:$0x190]  }
0x87: {  	v62 =	vld [tilespmem:$0x120]  }
0x88: {  	v63 =	vld [tilespmem:$0x180]  }
0x89: {  	v37 =	vld [tilespmem:$0x1C0]  }
0x8a: {  	v38 =	vld [tilespmem:$0x1D0];
	v31 =	vadd.s32 v59, v31  }
0x8b: {  	v39 =	vld [tilespmem:$0x40];
	v24 =	vadd.s32 v60, v24;
	v31 =	vshra.s32 v31, $0x7  }
0x8c: {  	v42 =	vld [tilespmem:$0x30];
	v30 =	vadd.s32 v61, v30;
	v24 =	vshra.s32 v24, $0x7;
	[tilespmem:$0x370] =	vst v31  }
0x8d: {  	v43 =	vld [tilespmem:$0x50];
	v27 =	vadd.s32 v63, v27;
	v41 =	vshra.s32 v30, $0x7;
	[tilespmem:$0x220] =	vst v24  }
0x8e: {  	v44 =	vld [tilespmem:$0x60];
	v45 =	vadd.s32 v37, v28;
	v27 =	vshra.s32 v27, $0x7;
	[tilespmem:$0x390] =	vst v41  }
0x8f: {  	v46 =	vld [tilespmem:$0x80];
	v47 =	vadd.s32 v38, v29;
	v28 =	vshra.s32 v45, $0x7;
	[tilespmem:$0x380] =	vst v27  }
0x90: {  	v49 =	vld [tilespmem:$0x70];
	v48 =	vadd.s32 v39, v23;
	v50 =	vshra.s32 v47, $0x7;
	[tilespmem:$0x3C0] =	vst v28  }
0x91: {  	v54 =	vld [tilespmem:$0x90];
	v51 =	vadd.s32 v42, v21;
	v23 =	vshra.s32 v48, $0x7;
	[tilespmem:$0x3D0] =	vst v50  }
0x92: {  	v56 =	vld [tilespmem:$0xA0];
	v53 =	vadd.s32 v43, v19;
	v21 =	vshra.s32 v51, $0x7;
	[tilespmem:$0x240] =	vst v23  }
0x93: {  	v34 =	vld [tilespmem:$0x100];
	v55 =	vadd.s32 v44, v20;
	v19 =	vshra.s32 v53, $0x7;
	[tilespmem:$0x230] =	vst v21  }
0x94: {  	v58 =	vadd.s32 v46, v18;
	v57 =	vshra.s32 v55, $0x7;
	[tilespmem:$0x250] =	vst v19  }
0x95: {  	v52 =	vld [tilespmem:$0x1F0];
	v60 =	vadd.s32 v49, v17;
	v18 =	vshra.s32 v58, $0x7;
	[tilespmem:$0x260] =	vst v57  }
0x96: {  	v40 =	vadd.s32 v62, v26;
	v59 =	vld [tilespmem:$0xB0];
	v26 =	vadd.s32 v54, v16;
	v17 =	vshra.s32 v60, $0x7;
	[tilespmem:$0x280] =	vst v18  }
0x97: {  	v61 =	vld [tilespmem:$0xC0];
	v29 =	vadd.s32 v56, v15;
	v16 =	vshra.s32 v26, $0x7;
	[tilespmem:$0x270] =	vst v17  }
0x98: {  	v62 =	vld [tilespmem:$0xD0];
	v44 =	vadd.s32 v34, v9;
	v15 =	vshra.s32 v29, $0x7;
	[tilespmem:$0x290] =	vst v16  }
0x99: {  	v37 =	vld [tilespmem:$0x110];
	v9 =	vshra.s32 v44, $0x7;
	[tilespmem:$0x2A0] =	vst v15  }
0x9a: {  	v63 =	vadd.s32 v52, v25;
	v39 =	vld [tilespmem:$0x130];
	v24 =	vshra.s32 v40, $0x7;
	[tilespmem:$0x300] =	vst v9  }
0x9b: {  	v42 =	vld [tilespmem:$0x140];
	v28 =	vshra.s32 v63, $0x7;
	[tilespmem:$0x320] =	vst v24;
	v31 =	vadd.s32 v59, v13  }
0x9c: {  	v46 =	vld [tilespmem:$0x10];
	[tilespmem:$0x3F0] =	vst v28;
	v33 =	vadd.s32 v61, v14;
	v13 =	vshra.s32 v31, $0x7  }
0x9d: {  	v49 =	vld [tilespmem:$0x160];
	v36 =	vadd.s32 v62, v12;
	v35 =	vshra.s32 v33, $0x7;
	[tilespmem:$0x2B0] =	vst v13  }
0x9e: {  	v30 =	vld [tilespmem:$0xF0];
	v47 =	vadd.s32 v37, v6;
	v12 =	vshra.s32 v36, $0x7;
	[tilespmem:$0x2C0] =	vst v35  }
0x9f: {  	v32 =	vld [tilespmem:$0x1E0];
	v48 =	vadd.s32 v39, v7;
	v6 =	vshra.s32 v47, $0x7;
	[tilespmem:$0x2D0] =	vst v12  }
0xa0: {  	v45 =	vld [tilespmem:$0x150];
	v54 =	vadd.s32 v42, v2;
	v52 =	vshra.s32 v48, $0x7;
	[tilespmem:$0x310] =	vst v6  }
0xa1: {  	v53 =	vld [tilespmem:$0x1B0];
	v56 =	vadd.s32 v46, v0;
	v2 =	vshra.s32 v54, $0x7;
	[tilespmem:$0x330] =	vst v52  }
0xa2: {  	v27 =	vld [tilespmem:$0xE0];
	v58 =	vadd.s32 v49, v1;
	v0 =	vshra.s32 v56, $0x7;
	[tilespmem:$0x340] =	vst v2  }
0xa3: {  	v40 =	vld [tilespmem:$0x0];
	v41 =	vadd.s32 v30, v10;
	v60 =	vshra.s32 v58, $0x7;
	[tilespmem:$0x210] =	vst v0  }
0xa4: {  	v43 =	vadd.s32 v32, v22;
	v50 =	vld [tilespmem:$0x1A0];
	v10 =	vshra.s32 v41, $0x7;
	[tilespmem:$0x360] =	vst v60  }
0xa5: {  	v55 =	vadd.s32 v45, v3;
	v12 =	vshra.s32 v43, $0x7;
	[tilespmem:$0x2F0] =	vst v10  }
0xa6: {  	v62 =	vadd.s32 v53, v4;
	v57 =	vshra.s32 v55, $0x7;
	[tilespmem:$0x3E0] =	vst v12  }
0xa7: {  	v38 =	vadd.s32 v27, v11;
	v63 =	vshra.s32 v62, $0x7;
	[tilespmem:$0x350] =	vst v57  }
0xa8: {  	v51 =	vadd.s32 v40, v8;
	v11 =	vshra.s32 v38, $0x7;
	[tilespmem:$0x3B0] =	vst v63  }
0xa9: {  	v59 =	vadd.s32 v50, v5;
	v8 =	vshra.s32 v51, $0x7;
	[tilespmem:$0x2E0] =	vst v11  }
0xaa: {  	v61 =	vshra.s32 v59, $0x7;
	[tilespmem:$0x200] =	vst v8  }
0xab: {  	[tilespmem:$0x3A0] =	vst v61  }
0xac: {  	[tilespmem:s6], [sflag:$0x1] =	stream.indirect.gather [hbm4b:s3+s7], $0x80, s7, s7, $0xb8;
	[tilespmem:$0x10400] =	vst v63  }
0xad: {  	_ =	swait.ge [sflag:s8], $0x10000  }
0xae: {  	[sflag:s8] =	ssyncset.done $0x0  }
0xaf: {  	[sflag:s8] =	ssyncadd.s32 $0xFFFF0000  }
0xb0: {  	[hbm4b:s5+s2] =	stream.linear.scatter [tilespmem:s6], [sflag:$0x2], $0x10000, $0x38;
	[tilespmem:$0x10400] =	vst v63  }
0xb1: {  	_ =	swait.ge [sflag:s4], $0x10000  }
0xb2: {  	[sflag:s4] =	ssyncset.done $0x0  }
0xb3: {  	[sflag:s4] =	ssyncadd.s32 $0xFFFF0000  }
0xb4: {  	_ =	sfence.sel $0x180000  }
0xb5: {  	[bflag:$0x0] =	sbarrier.arrive $0xFFFF  }
0xb6: {  	p0 =	sne.s32 s1, $0x0;
	_ =	strace $0x90000047  }
0xb7: {  	s0 =	sadd.s32 @!p0 $0x100000, s0;
	[bflag:$0x2] =	sbarrier.arrive $0xFFFF  }
0xb8: {  	[sflag:s0] =	ssyncadd.tile.s32 @!p0 $0x1;
	_ =	shalt  }
.Lfunc_end2:
_tile_overlayer_lowered:
.L_overlay_start_2:
0xb9: {  	(tag) =	ssettag $0x2  }
0xba: {  	s0 =	rddreg [dreg:$0x0];
	s2 =	stileid.u32  }
0xbb: {  	s1 =	rddreg [dreg:$0x1];
	p0 =	sne.s32 s2, $0x0  }
0xbc: {  	s3 =	rddreg [dreg:$0x2];
	[bflag:$0x3] =	sbarrier.arrive $0xFFFF;
	s2 =	simm.s32 @!p0 $0x1C02  }
0xbd: {  	[timem:s3], [sflag:s2] =	dma.local @!p0 [hbm:s0], s1  }
0xbe: {  	s0 =	simm.s32 @!p0 $0x2  }
0xbf: {  	_ =	swait.ge @!p0 [sflag:s0], s1  }
0xc0: {  	s1 =	ssub.s32 @!p0 $0x0, s1;
	[sflag:s0] =	ssyncset.done @!p0 $0x0  }
0xc1: {  	[sflag:s0] =	ssyncadd.s32 @!p0 s1  }
0xc2: {  	[bflag:$0x3] =	sbarrier.arrive $0xFFFF  }
0xc3: {  	_ =	shalt  }

</sc_bundles>
